<compile_context>
chip_gen: v7x
topology: tpu7x:2x2x1
jax: 0.10.2.dev20260603
libtpu: 0.0.44.dev20260713+nightly
codegen_flags: <defaults>
</compile_context>

<pallas_src>
import functools

import jax
import jax.numpy as jnp
from jax import lax
from jax.experimental import pallas as pl
from jax.experimental.pallas import tpu as pltpu
from jax.experimental.pallas import tpu_sc as plsc

EMB = 64
NROW = 4096
NPOS = 50
NC, NS = 2, 16
NW = NC * NS
RPW = NROW // NW
NBUF = 4
NG = RPW // NBUF

_mesh = plsc.VectorSubcoreMesh(core_axis_name="c", subcore_axis_name="s")


@functools.partial(
    pl.kernel,
    mesh=_mesh,
    out_type=jax.ShapeDtypeStruct((NROW * NPOS, EMB), jnp.float32),
    compiler_params=pltpu.CompilerParams(use_tc_tiling_on_sc=False),
    scratch_types=[
        pltpu.VMEM((RPW, NPOS), jnp.int32),
        *[pltpu.VMEM((NPOS, 2 * EMB), jnp.float32) for _ in range(NBUF)],
        *[pltpu.SemaphoreType.DMA for _ in range(2 * NBUF)],
    ],
)
def _gather_kernel(idx_hbm, table_hbm, out_hbm, idx_v, *bufs_and_sems):
    rows = bufs_and_sems[:NBUF]
    gsem = bufs_and_sems[NBUF:2 * NBUF]
    wsem = bufs_and_sems[2 * NBUF:]

    wid = lax.axis_index("s") * NC + lax.axis_index("c")
    base = wid * RPW

    pltpu.sync_copy(idx_hbm.at[pl.ds(base, RPW)], idx_v)

    def fire_gather(v, b):
        pltpu.make_async_copy(
            table_hbm.at[idx_v.at[v]], rows[b], gsem[b]).start()

    def wait_gather(v, b):
        pltpu.make_async_copy(
            table_hbm.at[idx_v.at[v]], rows[b], gsem[b]).wait()

    def fire_write(v, b):
        pltpu.make_async_copy(
            rows[b].at[:, pl.ds(0, EMB)],
            out_hbm.at[pl.ds((base + v) * NPOS, NPOS)],
            wsem[b]).start()

    def wait_write(v, b):
        pltpu.make_async_copy(
            rows[b].at[:, pl.ds(0, EMB)],
            out_hbm.at[pl.ds((base + v) * NPOS, NPOS)],
            wsem[b]).wait()

    for b in range(NBUF):
        fire_gather(b, b)

    def group_body(g, carry):
        for b in range(NBUF):
            v = g * NBUF + b
            wait_gather(v, b)
            fire_write(v, b)
            wait_write(v, b)
            fire_gather(v + NBUF, b)
        return carry

    lax.fori_loop(0, NG - 1, group_body, 0)

    for b in range(NBUF):
        v = (NG - 1) * NBUF + b
        wait_gather(v, b)
        fire_write(v, b)
    for b in range(NBUF):
        v = (NG - 1) * NBUF + b
        wait_write(v, b)


def kernel(vocab_ids, node_embs):
    table = jnp.pad(node_embs, ((0, 7), (0, EMB)))
    out = _gather_kernel(vocab_ids.astype(jnp.int32), table)
    return out.reshape(NROW, NPOS, EMB)

# --- scband reference (transcript-rebuilt; emitter-appended) ---
"""Pipeline reference for scband-node-embeddings-for-pretraining-23210003268245 (READ-ONLY COPY).

The authoritative reference and input builder live on the scoring server;
editing this copy changes nothing except your own understanding.
"""

import jax, jax.numpy as jnp
import numpy as np

VOCAB_SIZE = 1000000
EMB_SIZE = 64

def setup_inputs(seed: int = 0) -> dict:
    key = jax.random.key(seed)
    k1, k2 = jax.random.split(key)
    vocab_ids = jax.random.randint(k1, (4096, 50), 0, VOCAB_SIZE + 1, dtype=jnp.int64 if jax.config.jax_enable_x64 else jnp.int32)
    # embedding table for vocab_size + 1 entries ([MASK] token included)
    node_embs = jax.random.normal(k2, (VOCAB_SIZE + 1, EMB_SIZE), dtype=jnp.float32)
    return {"vocab_ids": vocab_ids, "node_embs": node_embs}

def reference(vocab_ids, node_embs):
    # nn.Embedding forward: gather rows of the table by index
    embs = jnp.take(node_embs, vocab_ids, axis=0)
    return embs

if __name__ == "__main__":
    import jax
    _d = setup_inputs()
    print(jax.jit(kernel)(*tuple(_d.values())))

</pallas_src>

<mosaic_0001>
#map = affine_map<(d0, d1) -> (0, 0)>
module attributes {stable_mosaic.version = 14 : i64} {
  func.func @_gather_kernel(%arg0: i32, %arg1: i32, %arg2: memref<4096x50xi32, #tpu.memory_space<hbm>>, %arg3: memref<1000008x128xf32, #tpu.memory_space<hbm>>, %arg4: memref<204800x64xf32, #tpu.memory_space<hbm>>, %arg5: memref<128x50xi32, #tpu.memory_space<vmem>>, %arg6: memref<50x128xf32, #tpu.memory_space<vmem>>, %arg7: memref<50x128xf32, #tpu.memory_space<vmem>>, %arg8: memref<50x128xf32, #tpu.memory_space<vmem>>, %arg9: memref<50x128xf32, #tpu.memory_space<vmem>>, %arg10: memref<!tpu.dma_semaphore, #tpu.memory_space<semaphore_mem>>, %arg11: memref<!tpu.dma_semaphore, #tpu.memory_space<semaphore_mem>>, %arg12: memref<!tpu.dma_semaphore, #tpu.memory_space<semaphore_mem>>, %arg13: memref<!tpu.dma_semaphore, #tpu.memory_space<semaphore_mem>>, %arg14: memref<!tpu.dma_semaphore, #tpu.memory_space<semaphore_mem>>, %arg15: memref<!tpu.dma_semaphore, #tpu.memory_space<semaphore_mem>>, %arg16: memref<!tpu.dma_semaphore, #tpu.memory_space<semaphore_mem>>, %arg17: memref<!tpu.dma_semaphore, #tpu.memory_space<semaphore_mem>>) attributes {dimension_semantics = [#tpu.dimension_semantics<core_parallel>, #tpu.dimension_semantics<subcore_parallel>], iteration_bounds = array<i64: 2, 16>, scalar_prefetch = 0 : i64, scratch_operands = 13 : i64, tpu.core_type = #tpu.core_type<sc_vector_subcore>, window_params = [{transform_indices = #map}, {transform_indices = #map}, {transform_indices = #map}]} {
    %mul3A = arith.constant 2 : i32
    %mul3A_0 = arith.muli %arg1, %mul3A : i32
    %add3A = arith.addi %mul3A_0, %arg0 : i32
    %mul3A_1 = arith.constant 128 : i32
    %mul3A_2 = arith.muli %add3A, %mul3A_1 : i32
    "tpu.region"() ({
      %run_scoped3A = tpu.sem_alloc : memref<!tpu.dma_semaphore, #tpu.memory_space<semaphore_mem>>
      %dma_start3A_174 = arith.constant 0 : i32
      %dma_start3A_175 = tpu.memref_slice %arg2[%mul3A_2, %dma_start3A_174] : memref<4096x50xi32, #tpu.memory_space<hbm>> -> memref<128x50xi32, #tpu.memory_space<hbm>>
      %dma_start3A_176 = arith.constant 0 : i32
      %dma_start3A_177 = tpu.memref_slice %arg2[%mul3A_2, %dma_start3A_176] : memref<4096x50xi32, #tpu.memory_space<hbm>> -> memref<128x50xi32, #tpu.memory_space<hbm>>
      tpu.enqueue_dma source(%dma_start3A_177 : memref<128x50xi32, #tpu.memory_space<hbm>>) target(%arg5 : memref<128x50xi32, #tpu.memory_space<vmem>>) target_semaphore(%run_scoped3A : memref<!tpu.dma_semaphore, #tpu.memory_space<semaphore_mem>>)
      %dma_wait3A_178 = arith.constant 0 : i32
      %dma_wait3A_179 = tpu.memref_slice %arg2[%mul3A_2, %dma_wait3A_178] : memref<4096x50xi32, #tpu.memory_space<hbm>> -> memref<128x50xi32, #tpu.memory_space<hbm>>
      %dma_wait3A_180 = arith.constant 0 : i32
      %dma_wait3A_181 = tpu.memref_slice %arg2[%mul3A_2, %dma_wait3A_180] : memref<4096x50xi32, #tpu.memory_space<hbm>> -> memref<128x50xi32, #tpu.memory_space<hbm>>
      tpu.wait_dma2 semaphore(%run_scoped3A : memref<!tpu.dma_semaphore, #tpu.memory_space<semaphore_mem>>) src(%dma_wait3A_181 : memref<128x50xi32, #tpu.memory_space<hbm>>) dst(%arg5 : memref<128x50xi32, #tpu.memory_space<vmem>>)
      tpu.yield
    }) : () -> ()
    %dma_start3A = arith.constant 0 : i32
    %dma_start3A_3 = arith.constant 0 : i32
    %dma_start3A_4 = tpu.memref_slice %arg5[%dma_start3A, %dma_start3A_3] : memref<128x50xi32, #tpu.memory_space<vmem>> -> memref<1x50xi32, #tpu.memory_space<vmem>>
    %dma_start3A_5 = tpu.memref_squeeze %dma_start3A_4 : memref<1x50xi32, #tpu.memory_space<vmem>> -> memref<50xi32, #tpu.memory_space<vmem>>
    %dma_start3A_6 = arith.constant 0 : i32
    %dma_start3A_7 = arith.constant 0 : i32
    %dma_start3A_8 = tpu.memref_slice %arg3[%dma_start3A_6, %dma_start3A_7] : memref<1000008x128xf32, #tpu.memory_space<hbm>> -> memref<1000008x128xf32, #tpu.memory_space<hbm>>
    tpu.enqueue_indirect_dma source(%dma_start3A_8 : memref<1000008x128xf32, #tpu.memory_space<hbm>>) target(%arg6 : memref<50x128xf32, #tpu.memory_space<vmem>>) offsets(%dma_start3A_5 : memref<50xi32, #tpu.memory_space<vmem>>) semaphore(%arg10 : memref<!tpu.dma_semaphore, #tpu.memory_space<semaphore_mem>>)
    %dma_start3A_9 = arith.constant 1 : i32
    %dma_start3A_10 = arith.constant 0 : i32
    %dma_start3A_11 = tpu.memref_slice %arg5[%dma_start3A_9, %dma_start3A_10] : memref<128x50xi32, #tpu.memory_space<vmem>> -> memref<1x50xi32, #tpu.memory_space<vmem>>
    %dma_start3A_12 = tpu.memref_squeeze %dma_start3A_11 : memref<1x50xi32, #tpu.memory_space<vmem>> -> memref<50xi32, #tpu.memory_space<vmem>>
    %dma_start3A_13 = arith.constant 0 : i32
    %dma_start3A_14 = arith.constant 0 : i32
    %dma_start3A_15 = tpu.memref_slice %arg3[%dma_start3A_13, %dma_start3A_14] : memref<1000008x128xf32, #tpu.memory_space<hbm>> -> memref<1000008x128xf32, #tpu.memory_space<hbm>>
    tpu.enqueue_indirect_dma source(%dma_start3A_15 : memref<1000008x128xf32, #tpu.memory_space<hbm>>) target(%arg7 : memref<50x128xf32, #tpu.memory_space<vmem>>) offsets(%dma_start3A_12 : memref<50xi32, #tpu.memory_space<vmem>>) semaphore(%arg11 : memref<!tpu.dma_semaphore, #tpu.memory_space<semaphore_mem>>)
    %dma_start3A_16 = arith.constant 2 : i32
    %dma_start3A_17 = arith.constant 0 : i32
    %dma_start3A_18 = tpu.memref_slice %arg5[%dma_start3A_16, %dma_start3A_17] : memref<128x50xi32, #tpu.memory_space<vmem>> -> memref<1x50xi32, #tpu.memory_space<vmem>>
    %dma_start3A_19 = tpu.memref_squeeze %dma_start3A_18 : memref<1x50xi32, #tpu.memory_space<vmem>> -> memref<50xi32, #tpu.memory_space<vmem>>
    %dma_start3A_20 = arith.constant 0 : i32
    %dma_start3A_21 = arith.constant 0 : i32
    %dma_start3A_22 = tpu.memref_slice %arg3[%dma_start3A_20, %dma_start3A_21] : memref<1000008x128xf32, #tpu.memory_space<hbm>> -> memref<1000008x128xf32, #tpu.memory_space<hbm>>
    tpu.enqueue_indirect_dma source(%dma_start3A_22 : memref<1000008x128xf32, #tpu.memory_space<hbm>>) target(%arg8 : memref<50x128xf32, #tpu.memory_space<vmem>>) offsets(%dma_start3A_19 : memref<50xi32, #tpu.memory_space<vmem>>) semaphore(%arg12 : memref<!tpu.dma_semaphore, #tpu.memory_space<semaphore_mem>>)
    %dma_start3A_23 = arith.constant 3 : i32
    %dma_start3A_24 = arith.constant 0 : i32
    %dma_start3A_25 = tpu.memref_slice %arg5[%dma_start3A_23, %dma_start3A_24] : memref<128x50xi32, #tpu.memory_space<vmem>> -> memref<1x50xi32, #tpu.memory_space<vmem>>
    %dma_start3A_26 = tpu.memref_squeeze %dma_start3A_25 : memref<1x50xi32, #tpu.memory_space<vmem>> -> memref<50xi32, #tpu.memory_space<vmem>>
    %dma_start3A_27 = arith.constant 0 : i32
    %dma_start3A_28 = arith.constant 0 : i32
    %dma_start3A_29 = tpu.memref_slice %arg3[%dma_start3A_27, %dma_start3A_28] : memref<1000008x128xf32, #tpu.memory_space<hbm>> -> memref<1000008x128xf32, #tpu.memory_space<hbm>>
    tpu.enqueue_indirect_dma source(%dma_start3A_29 : memref<1000008x128xf32, #tpu.memory_space<hbm>>) target(%arg9 : memref<50x128xf32, #tpu.memory_space<vmem>>) offsets(%dma_start3A_26 : memref<50xi32, #tpu.memory_space<vmem>>) semaphore(%arg13 : memref<!tpu.dma_semaphore, #tpu.memory_space<semaphore_mem>>)
    %scan3A = arith.constant 0 : i32
    %scan3A_30 = arith.constant 0 : i32
    %scan3A_31 = arith.constant 31 : i32
    %scan3A_32 = arith.addi %scan3A_30, %scan3A_31 : i32
    %scan3A_33 = arith.constant 1 : i32
    scf.for %scan3A_174 = %scan3A_30 to %scan3A_32 step %scan3A_33  : i32 {
      %mul3A_175 = arith.constant 4 : i32
      %mul3A_176 = arith.muli %scan3A_174, %mul3A_175 : i32
      %add3A_177 = arith.constant 0 : i32
      %add3A_178 = arith.addi %mul3A_176, %add3A_177 : i32
      %dma_wait3A_179 = arith.constant 0 : i32
      %dma_wait3A_180 = tpu.memref_slice %arg5[%add3A_178, %dma_wait3A_179] : memref<128x50xi32, #tpu.memory_space<vmem>> -> memref<1x50xi32, #tpu.memory_space<vmem>>
      %dma_wait3A_181 = tpu.memref_squeeze %dma_wait3A_180 : memref<1x50xi32, #tpu.memory_space<vmem>> -> memref<50xi32, #tpu.memory_space<vmem>>
      %dma_wait3A_182 = arith.constant 0 : i32
      %dma_wait3A_183 = arith.constant 0 : i32
      %dma_wait3A_184 = tpu.memref_slice %arg3[%dma_wait3A_182, %dma_wait3A_183] : memref<1000008x128xf32, #tpu.memory_space<hbm>> -> memref<1000008x128xf32, #tpu.memory_space<hbm>>
      tpu.wait_indirect_dma semaphore(%arg10 : memref<!tpu.dma_semaphore, #tpu.memory_space<semaphore_mem>>) src(%dma_wait3A_184 : memref<1000008x128xf32, #tpu.memory_space<hbm>>) dst(%arg6 : memref<50x128xf32, #tpu.memory_space<vmem>>)
      %add3A_185 = arith.addi %mul3A_2, %add3A_178 : i32
      %mul3A_186 = arith.constant 50 : i32
      %mul3A_187 = arith.muli %add3A_185, %mul3A_186 : i32
      %dma_start3A_188 = arith.constant 0 : i32
      %dma_start3A_189 = arith.constant 0 : i32
      %dma_start3A_190 = tpu.memref_slice %arg6[%dma_start3A_188, %dma_start3A_189] : memref<50x128xf32, #tpu.memory_space<vmem>> -> memref<50x64xf32, #tpu.memory_space<vmem>>
      %dma_start3A_191 = arith.constant 0 : i32
      %dma_start3A_192 = tpu.memref_slice %arg4[%mul3A_187, %dma_start3A_191] : memref<204800x64xf32, #tpu.memory_space<hbm>> -> memref<50x64xf32, #tpu.memory_space<hbm>>
      %dma_start3A_193 = arith.constant 0 : i32
      %dma_start3A_194 = tpu.memref_slice %arg4[%mul3A_187, %dma_start3A_193] : memref<204800x64xf32, #tpu.memory_space<hbm>> -> memref<50x64xf32, #tpu.memory_space<hbm>>
      %dma_start3A_195 = arith.constant 0 : i32
      %dma_start3A_196 = arith.constant 0 : i32
      %dma_start3A_197 = tpu.memref_slice %arg6[%dma_start3A_195, %dma_start3A_196] : memref<50x128xf32, #tpu.memory_space<vmem>> -> memref<50x64xf32, #tpu.memory_space<vmem>>
      tpu.enqueue_dma source(%dma_start3A_197 : memref<50x64xf32, #tpu.memory_space<vmem>>) target(%dma_start3A_194 : memref<50x64xf32, #tpu.memory_space<hbm>>) target_semaphore(%arg14 : memref<!tpu.dma_semaphore, #tpu.memory_space<semaphore_mem>>)
      %add3A_198 = arith.addi %mul3A_2, %add3A_178 : i32
      %mul3A_199 = arith.constant 50 : i32
      %mul3A_200 = arith.muli %add3A_198, %mul3A_199 : i32
      %dma_wait3A_201 = arith.constant 0 : i32
      %dma_wait3A_202 = arith.constant 0 : i32
      %dma_wait3A_203 = tpu.memref_slice %arg6[%dma_wait3A_201, %dma_wait3A_202] : memref<50x128xf32, #tpu.memory_space<vmem>> -> memref<50x64xf32, #tpu.memory_space<vmem>>
      %dma_wait3A_204 = arith.constant 0 : i32
      %dma_wait3A_205 = tpu.memref_slice %arg4[%mul3A_200, %dma_wait3A_204] : memref<204800x64xf32, #tpu.memory_space<hbm>> -> memref<50x64xf32, #tpu.memory_space<hbm>>
      %dma_wait3A_206 = arith.constant 0 : i32
      %dma_wait3A_207 = tpu.memref_slice %arg4[%mul3A_200, %dma_wait3A_206] : memref<204800x64xf32, #tpu.memory_space<hbm>> -> memref<50x64xf32, #tpu.memory_space<hbm>>
      %dma_wait3A_208 = arith.constant 0 : i32
      %dma_wait3A_209 = arith.constant 0 : i32
      %dma_wait3A_210 = tpu.memref_slice %arg6[%dma_wait3A_208, %dma_wait3A_209] : memref<50x128xf32, #tpu.memory_space<vmem>> -> memref<50x64xf32, #tpu.memory_space<vmem>>
      tpu.wait_dma2 semaphore(%arg14 : memref<!tpu.dma_semaphore, #tpu.memory_space<semaphore_mem>>) src(%dma_wait3A_210 : memref<50x64xf32, #tpu.memory_space<vmem>>) dst(%dma_wait3A_207 : memref<50x64xf32, #tpu.memory_space<hbm>>)
      %add3A_211 = arith.constant 4 : i32
      %add3A_212 = arith.addi %add3A_178, %add3A_211 : i32
      %dma_start3A_213 = arith.constant 0 : i32
      %dma_start3A_214 = tpu.memref_slice %arg5[%add3A_212, %dma_start3A_213] : memref<128x50xi32, #tpu.memory_space<vmem>> -> memref<1x50xi32, #tpu.memory_space<vmem>>
      %dma_start3A_215 = tpu.memref_squeeze %dma_start3A_214 : memref<1x50xi32, #tpu.memory_space<vmem>> -> memref<50xi32, #tpu.memory_space<vmem>>
      %dma_start3A_216 = arith.constant 0 : i32
      %dma_start3A_217 = arith.constant 0 : i32
      %dma_start3A_218 = tpu.memref_slice %arg3[%dma_start3A_216, %dma_start3A_217] : memref<1000008x128xf32, #tpu.memory_space<hbm>> -> memref<1000008x128xf32, #tpu.memory_space<hbm>>
      tpu.enqueue_indirect_dma source(%dma_start3A_218 : memref<1000008x128xf32, #tpu.memory_space<hbm>>) target(%arg6 : memref<50x128xf32, #tpu.memory_space<vmem>>) offsets(%dma_start3A_215 : memref<50xi32, #tpu.memory_space<vmem>>) semaphore(%arg10 : memref<!tpu.dma_semaphore, #tpu.memory_space<semaphore_mem>>)
      %mul3A_219 = arith.constant 4 : i32
      %mul3A_220 = arith.muli %scan3A_174, %mul3A_219 : i32
      %add3A_221 = arith.constant 1 : i32
      %add3A_222 = arith.addi %mul3A_220, %add3A_221 : i32
      %dma_wait3A_223 = arith.constant 0 : i32
      %dma_wait3A_224 = tpu.memref_slice %arg5[%add3A_222, %dma_wait3A_223] : memref<128x50xi32, #tpu.memory_space<vmem>> -> memref<1x50xi32, #tpu.memory_space<vmem>>
      %dma_wait3A_225 = tpu.memref_squeeze %dma_wait3A_224 : memref<1x50xi32, #tpu.memory_space<vmem>> -> memref<50xi32, #tpu.memory_space<vmem>>
      %dma_wait3A_226 = arith.constant 0 : i32
      %dma_wait3A_227 = arith.constant 0 : i32
      %dma_wait3A_228 = tpu.memref_slice %arg3[%dma_wait3A_226, %dma_wait3A_227] : memref<1000008x128xf32, #tpu.memory_space<hbm>> -> memref<1000008x128xf32, #tpu.memory_space<hbm>>
      tpu.wait_indirect_dma semaphore(%arg11 : memref<!tpu.dma_semaphore, #tpu.memory_space<semaphore_mem>>) src(%dma_wait3A_228 : memref<1000008x128xf32, #tpu.memory_space<hbm>>) dst(%arg7 : memref<50x128xf32, #tpu.memory_space<vmem>>)
      %add3A_229 = arith.addi %mul3A_2, %add3A_222 : i32
      %mul3A_230 = arith.constant 50 : i32
      %mul3A_231 = arith.muli %add3A_229, %mul3A_230 : i32
      %dma_start3A_232 = arith.constant 0 : i32
      %dma_start3A_233 = arith.constant 0 : i32
      %dma_start3A_234 = tpu.memref_slice %arg7[%dma_start3A_232, %dma_start3A_233] : memref<50x128xf32, #tpu.memory_space<vmem>> -> memref<50x64xf32, #tpu.memory_space<vmem>>
      %dma_start3A_235 = arith.constant 0 : i32
      %dma_start3A_236 = tpu.memref_slice %arg4[%mul3A_231, %dma_start3A_235] : memref<204800x64xf32, #tpu.memory_space<hbm>> -> memref<50x64xf32, #tpu.memory_space<hbm>>
      %dma_start3A_237 = arith.constant 0 : i32
      %dma_start3A_238 = tpu.memref_slice %arg4[%mul3A_231, %dma_start3A_237] : memref<204800x64xf32, #tpu.memory_space<hbm>> -> memref<50x64xf32, #tpu.memory_space<hbm>>
      %dma_start3A_239 = arith.constant 0 : i32
      %dma_start3A_240 = arith.constant 0 : i32
      %dma_start3A_241 = tpu.memref_slice %arg7[%dma_start3A_239, %dma_start3A_240] : memref<50x128xf32, #tpu.memory_space<vmem>> -> memref<50x64xf32, #tpu.memory_space<vmem>>
      tpu.enqueue_dma source(%dma_start3A_241 : memref<50x64xf32, #tpu.memory_space<vmem>>) target(%dma_start3A_238 : memref<50x64xf32, #tpu.memory_space<hbm>>) target_semaphore(%arg15 : memref<!tpu.dma_semaphore, #tpu.memory_space<semaphore_mem>>)
      %add3A_242 = arith.addi %mul3A_2, %add3A_222 : i32
      %mul3A_243 = arith.constant 50 : i32
      %mul3A_244 = arith.muli %add3A_242, %mul3A_243 : i32
      %dma_wait3A_245 = arith.constant 0 : i32
      %dma_wait3A_246 = arith.constant 0 : i32
      %dma_wait3A_247 = tpu.memref_slice %arg7[%dma_wait3A_245, %dma_wait3A_246] : memref<50x128xf32, #tpu.memory_space<vmem>> -> memref<50x64xf32, #tpu.memory_space<vmem>>
      %dma_wait3A_248 = arith.constant 0 : i32
      %dma_wait3A_249 = tpu.memref_slice %arg4[%mul3A_244, %dma_wait3A_248] : memref<204800x64xf32, #tpu.memory_space<hbm>> -> memref<50x64xf32, #tpu.memory_space<hbm>>
      %dma_wait3A_250 = arith.constant 0 : i32
      %dma_wait3A_251 = tpu.memref_slice %arg4[%mul3A_244, %dma_wait3A_250] : memref<204800x64xf32, #tpu.memory_space<hbm>> -> memref<50x64xf32, #tpu.memory_space<hbm>>
      %dma_wait3A_252 = arith.constant 0 : i32
      %dma_wait3A_253 = arith.constant 0 : i32
      %dma_wait3A_254 = tpu.memref_slice %arg7[%dma_wait3A_252, %dma_wait3A_253] : memref<50x128xf32, #tpu.memory_space<vmem>> -> memref<50x64xf32, #tpu.memory_space<vmem>>
      tpu.wait_dma2 semaphore(%arg15 : memref<!tpu.dma_semaphore, #tpu.memory_space<semaphore_mem>>) src(%dma_wait3A_254 : memref<50x64xf32, #tpu.memory_space<vmem>>) dst(%dma_wait3A_251 : memref<50x64xf32, #tpu.memory_space<hbm>>)
      %add3A_255 = arith.constant 4 : i32
      %add3A_256 = arith.addi %add3A_222, %add3A_255 : i32
      %dma_start3A_257 = arith.constant 0 : i32
      %dma_start3A_258 = tpu.memref_slice %arg5[%add3A_256, %dma_start3A_257] : memref<128x50xi32, #tpu.memory_space<vmem>> -> memref<1x50xi32, #tpu.memory_space<vmem>>
      %dma_start3A_259 = tpu.memref_squeeze %dma_start3A_258 : memref<1x50xi32, #tpu.memory_space<vmem>> -> memref<50xi32, #tpu.memory_space<vmem>>
      %dma_start3A_260 = arith.constant 0 : i32
      %dma_start3A_261 = arith.constant 0 : i32
      %dma_start3A_262 = tpu.memref_slice %arg3[%dma_start3A_260, %dma_start3A_261] : memref<1000008x128xf32, #tpu.memory_space<hbm>> -> memref<1000008x128xf32, #tpu.memory_space<hbm>>
      tpu.enqueue_indirect_dma source(%dma_start3A_262 : memref<1000008x128xf32, #tpu.memory_space<hbm>>) target(%arg7 : memref<50x128xf32, #tpu.memory_space<vmem>>) offsets(%dma_start3A_259 : memref<50xi32, #tpu.memory_space<vmem>>) semaphore(%arg11 : memref<!tpu.dma_semaphore, #tpu.memory_space<semaphore_mem>>)
      %mul3A_263 = arith.constant 4 : i32
      %mul3A_264 = arith.muli %scan3A_174, %mul3A_263 : i32
      %add3A_265 = arith.constant 2 : i32
      %add3A_266 = arith.addi %mul3A_264, %add3A_265 : i32
      %dma_wait3A_267 = arith.constant 0 : i32
      %dma_wait3A_268 = tpu.memref_slice %arg5[%add3A_266, %dma_wait3A_267] : memref<128x50xi32, #tpu.memory_space<vmem>> -> memref<1x50xi32, #tpu.memory_space<vmem>>
      %dma_wait3A_269 = tpu.memref_squeeze %dma_wait3A_268 : memref<1x50xi32, #tpu.memory_space<vmem>> -> memref<50xi32, #tpu.memory_space<vmem>>
      %dma_wait3A_270 = arith.constant 0 : i32
      %dma_wait3A_271 = arith.constant 0 : i32
      %dma_wait3A_272 = tpu.memref_slice %arg3[%dma_wait3A_270, %dma_wait3A_271] : memref<1000008x128xf32, #tpu.memory_space<hbm>> -> memref<1000008x128xf32, #tpu.memory_space<hbm>>
      tpu.wait_indirect_dma semaphore(%arg12 : memref<!tpu.dma_semaphore, #tpu.memory_space<semaphore_mem>>) src(%dma_wait3A_272 : memref<1000008x128xf32, #tpu.memory_space<hbm>>) dst(%arg8 : memref<50x128xf32, #tpu.memory_space<vmem>>)
      %add3A_273 = arith.addi %mul3A_2, %add3A_266 : i32
      %mul3A_274 = arith.constant 50 : i32
      %mul3A_275 = arith.muli %add3A_273, %mul3A_274 : i32
      %dma_start3A_276 = arith.constant 0 : i32
      %dma_start3A_277 = arith.constant 0 : i32
      %dma_start3A_278 = tpu.memref_slice %arg8[%dma_start3A_276, %dma_start3A_277] : memref<50x128xf32, #tpu.memory_space<vmem>> -> memref<50x64xf32, #tpu.memory_space<vmem>>
      %dma_start3A_279 = arith.constant 0 : i32
      %dma_start3A_280 = tpu.memref_slice %arg4[%mul3A_275, %dma_start3A_279] : memref<204800x64xf32, #tpu.memory_space<hbm>> -> memref<50x64xf32, #tpu.memory_space<hbm>>
      %dma_start3A_281 = arith.constant 0 : i32
      %dma_start3A_282 = tpu.memref_slice %arg4[%mul3A_275, %dma_start3A_281] : memref<204800x64xf32, #tpu.memory_space<hbm>> -> memref<50x64xf32, #tpu.memory_space<hbm>>
      %dma_start3A_283 = arith.constant 0 : i32
      %dma_start3A_284 = arith.constant 0 : i32
      %dma_start3A_285 = tpu.memref_slice %arg8[%dma_start3A_283, %dma_start3A_284] : memref<50x128xf32, #tpu.memory_space<vmem>> -> memref<50x64xf32, #tpu.memory_space<vmem>>
      tpu.enqueue_dma source(%dma_start3A_285 : memref<50x64xf32, #tpu.memory_space<vmem>>) target(%dma_start3A_282 : memref<50x64xf32, #tpu.memory_space<hbm>>) target_semaphore(%arg16 : memref<!tpu.dma_semaphore, #tpu.memory_space<semaphore_mem>>)
      %add3A_286 = arith.addi %mul3A_2, %add3A_266 : i32
      %mul3A_287 = arith.constant 50 : i32
      %mul3A_288 = arith.muli %add3A_286, %mul3A_287 : i32
      %dma_wait3A_289 = arith.constant 0 : i32
      %dma_wait3A_290 = arith.constant 0 : i32
      %dma_wait3A_291 = tpu.memref_slice %arg8[%dma_wait3A_289, %dma_wait3A_290] : memref<50x128xf32, #tpu.memory_space<vmem>> -> memref<50x64xf32, #tpu.memory_space<vmem>>
      %dma_wait3A_292 = arith.constant 0 : i32
      %dma_wait3A_293 = tpu.memref_slice %arg4[%mul3A_288, %dma_wait3A_292] : memref<204800x64xf32, #tpu.memory_space<hbm>> -> memref<50x64xf32, #tpu.memory_space<hbm>>
      %dma_wait3A_294 = arith.constant 0 : i32
      %dma_wait3A_295 = tpu.memref_slice %arg4[%mul3A_288, %dma_wait3A_294] : memref<204800x64xf32, #tpu.memory_space<hbm>> -> memref<50x64xf32, #tpu.memory_space<hbm>>
      %dma_wait3A_296 = arith.constant 0 : i32
      %dma_wait3A_297 = arith.constant 0 : i32
      %dma_wait3A_298 = tpu.memref_slice %arg8[%dma_wait3A_296, %dma_wait3A_297] : memref<50x128xf32, #tpu.memory_space<vmem>> -> memref<50x64xf32, #tpu.memory_space<vmem>>
      tpu.wait_dma2 semaphore(%arg16 : memref<!tpu.dma_semaphore, #tpu.memory_space<semaphore_mem>>) src(%dma_wait3A_298 : memref<50x64xf32, #tpu.memory_space<vmem>>) dst(%dma_wait3A_295 : memref<50x64xf32, #tpu.memory_space<hbm>>)
      %add3A_299 = arith.constant 4 : i32
      %add3A_300 = arith.addi %add3A_266, %add3A_299 : i32
      %dma_start3A_301 = arith.constant 0 : i32
      %dma_start3A_302 = tpu.memref_slice %arg5[%add3A_300, %dma_start3A_301] : memref<128x50xi32, #tpu.memory_space<vmem>> -> memref<1x50xi32, #tpu.memory_space<vmem>>
      %dma_start3A_303 = tpu.memref_squeeze %dma_start3A_302 : memref<1x50xi32, #tpu.memory_space<vmem>> -> memref<50xi32, #tpu.memory_space<vmem>>
      %dma_start3A_304 = arith.constant 0 : i32
      %dma_start3A_305 = arith.constant 0 : i32
      %dma_start3A_306 = tpu.memref_slice %arg3[%dma_start3A_304, %dma_start3A_305] : memref<1000008x128xf32, #tpu.memory_space<hbm>> -> memref<1000008x128xf32, #tpu.memory_space<hbm>>
      tpu.enqueue_indirect_dma source(%dma_start3A_306 : memref<1000008x128xf32, #tpu.memory_space<hbm>>) target(%arg8 : memref<50x128xf32, #tpu.memory_space<vmem>>) offsets(%dma_start3A_303 : memref<50xi32, #tpu.memory_space<vmem>>) semaphore(%arg12 : memref<!tpu.dma_semaphore, #tpu.memory_space<semaphore_mem>>)
      %mul3A_307 = arith.constant 4 : i32
      %mul3A_308 = arith.muli %scan3A_174, %mul3A_307 : i32
      %add3A_309 = arith.constant 3 : i32
      %add3A_310 = arith.addi %mul3A_308, %add3A_309 : i32
      %dma_wait3A_311 = arith.constant 0 : i32
      %dma_wait3A_312 = tpu.memref_slice %arg5[%add3A_310, %dma_wait3A_311] : memref<128x50xi32, #tpu.memory_space<vmem>> -> memref<1x50xi32, #tpu.memory_space<vmem>>
      %dma_wait3A_313 = tpu.memref_squeeze %dma_wait3A_312 : memref<1x50xi32, #tpu.memory_space<vmem>> -> memref<50xi32, #tpu.memory_space<vmem>>
      %dma_wait3A_314 = arith.constant 0 : i32
      %dma_wait3A_315 = arith.constant 0 : i32
      %dma_wait3A_316 = tpu.memref_slice %arg3[%dma_wait3A_314, %dma_wait3A_315] : memref<1000008x128xf32, #tpu.memory_space<hbm>> -> memref<1000008x128xf32, #tpu.memory_space<hbm>>
      tpu.wait_indirect_dma semaphore(%arg13 : memref<!tpu.dma_semaphore, #tpu.memory_space<semaphore_mem>>) src(%dma_wait3A_316 : memref<1000008x128xf32, #tpu.memory_space<hbm>>) dst(%arg9 : memref<50x128xf32, #tpu.memory_space<vmem>>)
      %add3A_317 = arith.addi %mul3A_2, %add3A_310 : i32
      %mul3A_318 = arith.constant 50 : i32
      %mul3A_319 = arith.muli %add3A_317, %mul3A_318 : i32
      %dma_start3A_320 = arith.constant 0 : i32
      %dma_start3A_321 = arith.constant 0 : i32
      %dma_start3A_322 = tpu.memref_slice %arg9[%dma_start3A_320, %dma_start3A_321] : memref<50x128xf32, #tpu.memory_space<vmem>> -> memref<50x64xf32, #tpu.memory_space<vmem>>
      %dma_start3A_323 = arith.constant 0 : i32
      %dma_start3A_324 = tpu.memref_slice %arg4[%mul3A_319, %dma_start3A_323] : memref<204800x64xf32, #tpu.memory_space<hbm>> -> memref<50x64xf32, #tpu.memory_space<hbm>>
      %dma_start3A_325 = arith.constant 0 : i32
      %dma_start3A_326 = tpu.memref_slice %arg4[%mul3A_319, %dma_start3A_325] : memref<204800x64xf32, #tpu.memory_space<hbm>> -> memref<50x64xf32, #tpu.memory_space<hbm>>
      %dma_start3A_327 = arith.constant 0 : i32
      %dma_start3A_328 = arith.constant 0 : i32
      %dma_start3A_329 = tpu.memref_slice %arg9[%dma_start3A_327, %dma_start3A_328] : memref<50x128xf32, #tpu.memory_space<vmem>> -> memref<50x64xf32, #tpu.memory_space<vmem>>
      tpu.enqueue_dma source(%dma_start3A_329 : memref<50x64xf32, #tpu.memory_space<vmem>>) target(%dma_start3A_326 : memref<50x64xf32, #tpu.memory_space<hbm>>) target_semaphore(%arg17 : memref<!tpu.dma_semaphore, #tpu.memory_space<semaphore_mem>>)
      %add3A_330 = arith.addi %mul3A_2, %add3A_310 : i32
      %mul3A_331 = arith.constant 50 : i32
      %mul3A_332 = arith.muli %add3A_330, %mul3A_331 : i32
      %dma_wait3A_333 = arith.constant 0 : i32
      %dma_wait3A_334 = arith.constant 0 : i32
      %dma_wait3A_335 = tpu.memref_slice %arg9[%dma_wait3A_333, %dma_wait3A_334] : memref<50x128xf32, #tpu.memory_space<vmem>> -> memref<50x64xf32, #tpu.memory_space<vmem>>
      %dma_wait3A_336 = arith.constant 0 : i32
      %dma_wait3A_337 = tpu.memref_slice %arg4[%mul3A_332, %dma_wait3A_336] : memref<204800x64xf32, #tpu.memory_space<hbm>> -> memref<50x64xf32, #tpu.memory_space<hbm>>
      %dma_wait3A_338 = arith.constant 0 : i32
      %dma_wait3A_339 = tpu.memref_slice %arg4[%mul3A_332, %dma_wait3A_338] : memref<204800x64xf32, #tpu.memory_space<hbm>> -> memref<50x64xf32, #tpu.memory_space<hbm>>
      %dma_wait3A_340 = arith.constant 0 : i32
      %dma_wait3A_341 = arith.constant 0 : i32
      %dma_wait3A_342 = tpu.memref_slice %arg9[%dma_wait3A_340, %dma_wait3A_341] : memref<50x128xf32, #tpu.memory_space<vmem>> -> memref<50x64xf32, #tpu.memory_space<vmem>>
      tpu.wait_dma2 semaphore(%arg17 : memref<!tpu.dma_semaphore, #tpu.memory_space<semaphore_mem>>) src(%dma_wait3A_342 : memref<50x64xf32, #tpu.memory_space<vmem>>) dst(%dma_wait3A_339 : memref<50x64xf32, #tpu.memory_space<hbm>>)
      %add3A_343 = arith.constant 4 : i32
      %add3A_344 = arith.addi %add3A_310, %add3A_343 : i32
      %dma_start3A_345 = arith.constant 0 : i32
      %dma_start3A_346 = tpu.memref_slice %arg5[%add3A_344, %dma_start3A_345] : memref<128x50xi32, #tpu.memory_space<vmem>> -> memref<1x50xi32, #tpu.memory_space<vmem>>
      %dma_start3A_347 = tpu.memref_squeeze %dma_start3A_346 : memref<1x50xi32, #tpu.memory_space<vmem>> -> memref<50xi32, #tpu.memory_space<vmem>>
      %dma_start3A_348 = arith.constant 0 : i32
      %dma_start3A_349 = arith.constant 0 : i32
      %dma_start3A_350 = tpu.memref_slice %arg3[%dma_start3A_348, %dma_start3A_349] : memref<1000008x128xf32, #tpu.memory_space<hbm>> -> memref<1000008x128xf32, #tpu.memory_space<hbm>>
      tpu.enqueue_indirect_dma source(%dma_start3A_350 : memref<1000008x128xf32, #tpu.memory_space<hbm>>) target(%arg9 : memref<50x128xf32, #tpu.memory_space<vmem>>) offsets(%dma_start3A_347 : memref<50xi32, #tpu.memory_space<vmem>>) semaphore(%arg13 : memref<!tpu.dma_semaphore, #tpu.memory_space<semaphore_mem>>)
    }
    %scan3A_34 = arith.constant 31 : i32
    %dma_wait3A = arith.constant 124 : i32
    %dma_wait3A_35 = arith.constant 0 : i32
    %dma_wait3A_36 = tpu.memref_slice %arg5[%dma_wait3A, %dma_wait3A_35] : memref<128x50xi32, #tpu.memory_space<vmem>> -> memref<1x50xi32, #tpu.memory_space<vmem>>
    %dma_wait3A_37 = tpu.memref_squeeze %dma_wait3A_36 : memref<1x50xi32, #tpu.memory_space<vmem>> -> memref<50xi32, #tpu.memory_space<vmem>>
    %dma_wait3A_38 = arith.constant 0 : i32
    %dma_wait3A_39 = arith.constant 0 : i32
    %dma_wait3A_40 = tpu.memref_slice %arg3[%dma_wait3A_38, %dma_wait3A_39] : memref<1000008x128xf32, #tpu.memory_space<hbm>> -> memref<1000008x128xf32, #tpu.memory_space<hbm>>
    tpu.wait_indirect_dma semaphore(%arg10 : memref<!tpu.dma_semaphore, #tpu.memory_space<semaphore_mem>>) src(%dma_wait3A_40 : memref<1000008x128xf32, #tpu.memory_space<hbm>>) dst(%arg6 : memref<50x128xf32, #tpu.memory_space<vmem>>)
    %add3A_41 = arith.constant 124 : i32
    %add3A_42 = arith.addi %mul3A_2, %add3A_41 : i32
    %mul3A_43 = arith.constant 50 : i32
    %mul3A_44 = arith.muli %add3A_42, %mul3A_43 : i32
    %dma_start3A_45 = arith.constant 0 : i32
    %dma_start3A_46 = arith.constant 0 : i32
    %dma_start3A_47 = tpu.memref_slice %arg6[%dma_start3A_45, %dma_start3A_46] : memref<50x128xf32, #tpu.memory_space<vmem>> -> memref<50x64xf32, #tpu.memory_space<vmem>>
    %dma_start3A_48 = arith.constant 0 : i32
    %dma_start3A_49 = tpu.memref_slice %arg4[%mul3A_44, %dma_start3A_48] : memref<204800x64xf32, #tpu.memory_space<hbm>> -> memref<50x64xf32, #tpu.memory_space<hbm>>
    %dma_start3A_50 = arith.constant 0 : i32
    %dma_start3A_51 = tpu.memref_slice %arg4[%mul3A_44, %dma_start3A_50] : memref<204800x64xf32, #tpu.memory_space<hbm>> -> memref<50x64xf32, #tpu.memory_space<hbm>>
    %dma_start3A_52 = arith.constant 0 : i32
    %dma_start3A_53 = arith.constant 0 : i32
    %dma_start3A_54 = tpu.memref_slice %arg6[%dma_start3A_52, %dma_start3A_53] : memref<50x128xf32, #tpu.memory_space<vmem>> -> memref<50x64xf32, #tpu.memory_space<vmem>>
    tpu.enqueue_dma source(%dma_start3A_54 : memref<50x64xf32, #tpu.memory_space<vmem>>) target(%dma_start3A_51 : memref<50x64xf32, #tpu.memory_space<hbm>>) target_semaphore(%arg14 : memref<!tpu.dma_semaphore, #tpu.memory_space<semaphore_mem>>)
    %dma_wait3A_55 = arith.constant 125 : i32
    %dma_wait3A_56 = arith.constant 0 : i32
    %dma_wait3A_57 = tpu.memref_slice %arg5[%dma_wait3A_55, %dma_wait3A_56] : memref<128x50xi32, #tpu.memory_space<vmem>> -> memref<1x50xi32, #tpu.memory_space<vmem>>
    %dma_wait3A_58 = tpu.memref_squeeze %dma_wait3A_57 : memref<1x50xi32, #tpu.memory_space<vmem>> -> memref<50xi32, #tpu.memory_space<vmem>>
    %dma_wait3A_59 = arith.constant 0 : i32
    %dma_wait3A_60 = arith.constant 0 : i32
    %dma_wait3A_61 = tpu.memref_slice %arg3[%dma_wait3A_59, %dma_wait3A_60] : memref<1000008x128xf32, #tpu.memory_space<hbm>> -> memref<1000008x128xf32, #tpu.memory_space<hbm>>
    tpu.wait_indirect_dma semaphore(%arg11 : memref<!tpu.dma_semaphore, #tpu.memory_space<semaphore_mem>>) src(%dma_wait3A_61 : memref<1000008x128xf32, #tpu.memory_space<hbm>>) dst(%arg7 : memref<50x128xf32, #tpu.memory_space<vmem>>)
    %add3A_62 = arith.constant 125 : i32
    %add3A_63 = arith.addi %mul3A_2, %add3A_62 : i32
    %mul3A_64 = arith.constant 50 : i32
    %mul3A_65 = arith.muli %add3A_63, %mul3A_64 : i32
    %dma_start3A_66 = arith.constant 0 : i32
    %dma_start3A_67 = arith.constant 0 : i32
    %dma_start3A_68 = tpu.memref_slice %arg7[%dma_start3A_66, %dma_start3A_67] : memref<50x128xf32, #tpu.memory_space<vmem>> -> memref<50x64xf32, #tpu.memory_space<vmem>>
    %dma_start3A_69 = arith.constant 0 : i32
    %dma_start3A_70 = tpu.memref_slice %arg4[%mul3A_65, %dma_start3A_69] : memref<204800x64xf32, #tpu.memory_space<hbm>> -> memref<50x64xf32, #tpu.memory_space<hbm>>
    %dma_start3A_71 = arith.constant 0 : i32
    %dma_start3A_72 = tpu.memref_slice %arg4[%mul3A_65, %dma_start3A_71] : memref<204800x64xf32, #tpu.memory_space<hbm>> -> memref<50x64xf32, #tpu.memory_space<hbm>>
    %dma_start3A_73 = arith.constant 0 : i32
    %dma_start3A_74 = arith.constant 0 : i32
    %dma_start3A_75 = tpu.memref_slice %arg7[%dma_start3A_73, %dma_start3A_74] : memref<50x128xf32, #tpu.memory_space<vmem>> -> memref<50x64xf32, #tpu.memory_space<vmem>>
    tpu.enqueue_dma source(%dma_start3A_75 : memref<50x64xf32, #tpu.memory_space<vmem>>) target(%dma_start3A_72 : memref<50x64xf32, #tpu.memory_space<hbm>>) target_semaphore(%arg15 : memref<!tpu.dma_semaphore, #tpu.memory_space<semaphore_mem>>)
    %dma_wait3A_76 = arith.constant 126 : i32
    %dma_wait3A_77 = arith.constant 0 : i32
    %dma_wait3A_78 = tpu.memref_slice %arg5[%dma_wait3A_76, %dma_wait3A_77] : memref<128x50xi32, #tpu.memory_space<vmem>> -> memref<1x50xi32, #tpu.memory_space<vmem>>
    %dma_wait3A_79 = tpu.memref_squeeze %dma_wait3A_78 : memref<1x50xi32, #tpu.memory_space<vmem>> -> memref<50xi32, #tpu.memory_space<vmem>>
    %dma_wait3A_80 = arith.constant 0 : i32
    %dma_wait3A_81 = arith.constant 0 : i32
    %dma_wait3A_82 = tpu.memref_slice %arg3[%dma_wait3A_80, %dma_wait3A_81] : memref<1000008x128xf32, #tpu.memory_space<hbm>> -> memref<1000008x128xf32, #tpu.memory_space<hbm>>
    tpu.wait_indirect_dma semaphore(%arg12 : memref<!tpu.dma_semaphore, #tpu.memory_space<semaphore_mem>>) src(%dma_wait3A_82 : memref<1000008x128xf32, #tpu.memory_space<hbm>>) dst(%arg8 : memref<50x128xf32, #tpu.memory_space<vmem>>)
    %add3A_83 = arith.constant 126 : i32
    %add3A_84 = arith.addi %mul3A_2, %add3A_83 : i32
    %mul3A_85 = arith.constant 50 : i32
    %mul3A_86 = arith.muli %add3A_84, %mul3A_85 : i32
    %dma_start3A_87 = arith.constant 0 : i32
    %dma_start3A_88 = arith.constant 0 : i32
    %dma_start3A_89 = tpu.memref_slice %arg8[%dma_start3A_87, %dma_start3A_88] : memref<50x128xf32, #tpu.memory_space<vmem>> -> memref<50x64xf32, #tpu.memory_space<vmem>>
    %dma_start3A_90 = arith.constant 0 : i32
    %dma_start3A_91 = tpu.memref_slice %arg4[%mul3A_86, %dma_start3A_90] : memref<204800x64xf32, #tpu.memory_space<hbm>> -> memref<50x64xf32, #tpu.memory_space<hbm>>
    %dma_start3A_92 = arith.constant 0 : i32
    %dma_start3A_93 = tpu.memref_slice %arg4[%mul3A_86, %dma_start3A_92] : memref<204800x64xf32, #tpu.memory_space<hbm>> -> memref<50x64xf32, #tpu.memory_space<hbm>>
    %dma_start3A_94 = arith.constant 0 : i32
    %dma_start3A_95 = arith.constant 0 : i32
    %dma_start3A_96 = tpu.memref_slice %arg8[%dma_start3A_94, %dma_start3A_95] : memref<50x128xf32, #tpu.memory_space<vmem>> -> memref<50x64xf32, #tpu.memory_space<vmem>>
    tpu.enqueue_dma source(%dma_start3A_96 : memref<50x64xf32, #tpu.memory_space<vmem>>) target(%dma_start3A_93 : memref<50x64xf32, #tpu.memory_space<hbm>>) target_semaphore(%arg16 : memref<!tpu.dma_semaphore, #tpu.memory_space<semaphore_mem>>)
    %dma_wait3A_97 = arith.constant 127 : i32
    %dma_wait3A_98 = arith.constant 0 : i32
    %dma_wait3A_99 = tpu.memref_slice %arg5[%dma_wait3A_97, %dma_wait3A_98] : memref<128x50xi32, #tpu.memory_space<vmem>> -> memref<1x50xi32, #tpu.memory_space<vmem>>
    %dma_wait3A_100 = tpu.memref_squeeze %dma_wait3A_99 : memref<1x50xi32, #tpu.memory_space<vmem>> -> memref<50xi32, #tpu.memory_space<vmem>>
    %dma_wait3A_101 = arith.constant 0 : i32
    %dma_wait3A_102 = arith.constant 0 : i32
    %dma_wait3A_103 = tpu.memref_slice %arg3[%dma_wait3A_101, %dma_wait3A_102] : memref<1000008x128xf32, #tpu.memory_space<hbm>> -> memref<1000008x128xf32, #tpu.memory_space<hbm>>
    tpu.wait_indirect_dma semaphore(%arg13 : memref<!tpu.dma_semaphore, #tpu.memory_space<semaphore_mem>>) src(%dma_wait3A_103 : memref<1000008x128xf32, #tpu.memory_space<hbm>>) dst(%arg9 : memref<50x128xf32, #tpu.memory_space<vmem>>)
    %add3A_104 = arith.constant 127 : i32
    %add3A_105 = arith.addi %mul3A_2, %add3A_104 : i32
    %mul3A_106 = arith.constant 50 : i32
    %mul3A_107 = arith.muli %add3A_105, %mul3A_106 : i32
    %dma_start3A_108 = arith.constant 0 : i32
    %dma_start3A_109 = arith.constant 0 : i32
    %dma_start3A_110 = tpu.memref_slice %arg9[%dma_start3A_108, %dma_start3A_109] : memref<50x128xf32, #tpu.memory_space<vmem>> -> memref<50x64xf32, #tpu.memory_space<vmem>>
    %dma_start3A_111 = arith.constant 0 : i32
    %dma_start3A_112 = tpu.memref_slice %arg4[%mul3A_107, %dma_start3A_111] : memref<204800x64xf32, #tpu.memory_space<hbm>> -> memref<50x64xf32, #tpu.memory_space<hbm>>
    %dma_start3A_113 = arith.constant 0 : i32
    %dma_start3A_114 = tpu.memref_slice %arg4[%mul3A_107, %dma_start3A_113] : memref<204800x64xf32, #tpu.memory_space<hbm>> -> memref<50x64xf32, #tpu.memory_space<hbm>>
    %dma_start3A_115 = arith.constant 0 : i32
    %dma_start3A_116 = arith.constant 0 : i32
    %dma_start3A_117 = tpu.memref_slice %arg9[%dma_start3A_115, %dma_start3A_116] : memref<50x128xf32, #tpu.memory_space<vmem>> -> memref<50x64xf32, #tpu.memory_space<vmem>>
    tpu.enqueue_dma source(%dma_start3A_117 : memref<50x64xf32, #tpu.memory_space<vmem>>) target(%dma_start3A_114 : memref<50x64xf32, #tpu.memory_space<hbm>>) target_semaphore(%arg17 : memref<!tpu.dma_semaphore, #tpu.memory_space<semaphore_mem>>)
    %add3A_118 = arith.constant 124 : i32
    %add3A_119 = arith.addi %mul3A_2, %add3A_118 : i32
    %mul3A_120 = arith.constant 50 : i32
    %mul3A_121 = arith.muli %add3A_119, %mul3A_120 : i32
    %dma_wait3A_122 = arith.constant 0 : i32
    %dma_wait3A_123 = arith.constant 0 : i32
    %dma_wait3A_124 = tpu.memref_slice %arg6[%dma_wait3A_122, %dma_wait3A_123] : memref<50x128xf32, #tpu.memory_space<vmem>> -> memref<50x64xf32, #tpu.memory_space<vmem>>
    %dma_wait3A_125 = arith.constant 0 : i32
    %dma_wait3A_126 = tpu.memref_slice %arg4[%mul3A_121, %dma_wait3A_125] : memref<204800x64xf32, #tpu.memory_space<hbm>> -> memref<50x64xf32, #tpu.memory_space<hbm>>
    %dma_wait3A_127 = arith.constant 0 : i32
    %dma_wait3A_128 = tpu.memref_slice %arg4[%mul3A_121, %dma_wait3A_127] : memref<204800x64xf32, #tpu.memory_space<hbm>> -> memref<50x64xf32, #tpu.memory_space<hbm>>
    %dma_wait3A_129 = arith.constant 0 : i32
    %dma_wait3A_130 = arith.constant 0 : i32
    %dma_wait3A_131 = tpu.memref_slice %arg6[%dma_wait3A_129, %dma_wait3A_130] : memref<50x128xf32, #tpu.memory_space<vmem>> -> memref<50x64xf32, #tpu.memory_space<vmem>>
    tpu.wait_dma2 semaphore(%arg14 : memref<!tpu.dma_semaphore, #tpu.memory_space<semaphore_mem>>) src(%dma_wait3A_131 : memref<50x64xf32, #tpu.memory_space<vmem>>) dst(%dma_wait3A_128 : memref<50x64xf32, #tpu.memory_space<hbm>>)
    %add3A_132 = arith.constant 125 : i32
    %add3A_133 = arith.addi %mul3A_2, %add3A_132 : i32
    %mul3A_134 = arith.constant 50 : i32
    %mul3A_135 = arith.muli %add3A_133, %mul3A_134 : i32
    %dma_wait3A_136 = arith.constant 0 : i32
    %dma_wait3A_137 = arith.constant 0 : i32
    %dma_wait3A_138 = tpu.memref_slice %arg7[%dma_wait3A_136, %dma_wait3A_137] : memref<50x128xf32, #tpu.memory_space<vmem>> -> memref<50x64xf32, #tpu.memory_space<vmem>>
    %dma_wait3A_139 = arith.constant 0 : i32
    %dma_wait3A_140 = tpu.memref_slice %arg4[%mul3A_135, %dma_wait3A_139] : memref<204800x64xf32, #tpu.memory_space<hbm>> -> memref<50x64xf32, #tpu.memory_space<hbm>>
    %dma_wait3A_141 = arith.constant 0 : i32
    %dma_wait3A_142 = tpu.memref_slice %arg4[%mul3A_135, %dma_wait3A_141] : memref<204800x64xf32, #tpu.memory_space<hbm>> -> memref<50x64xf32, #tpu.memory_space<hbm>>
    %dma_wait3A_143 = arith.constant 0 : i32
    %dma_wait3A_144 = arith.constant 0 : i32
    %dma_wait3A_145 = tpu.memref_slice %arg7[%dma_wait3A_143, %dma_wait3A_144] : memref<50x128xf32, #tpu.memory_space<vmem>> -> memref<50x64xf32, #tpu.memory_space<vmem>>
    tpu.wait_dma2 semaphore(%arg15 : memref<!tpu.dma_semaphore, #tpu.memory_space<semaphore_mem>>) src(%dma_wait3A_145 : memref<50x64xf32, #tpu.memory_space<vmem>>) dst(%dma_wait3A_142 : memref<50x64xf32, #tpu.memory_space<hbm>>)
    %add3A_146 = arith.constant 126 : i32
    %add3A_147 = arith.addi %mul3A_2, %add3A_146 : i32
    %mul3A_148 = arith.constant 50 : i32
    %mul3A_149 = arith.muli %add3A_147, %mul3A_148 : i32
    %dma_wait3A_150 = arith.constant 0 : i32
    %dma_wait3A_151 = arith.constant 0 : i32
    %dma_wait3A_152 = tpu.memref_slice %arg8[%dma_wait3A_150, %dma_wait3A_151] : memref<50x128xf32, #tpu.memory_space<vmem>> -> memref<50x64xf32, #tpu.memory_space<vmem>>
    %dma_wait3A_153 = arith.constant 0 : i32
    %dma_wait3A_154 = tpu.memref_slice %arg4[%mul3A_149, %dma_wait3A_153] : memref<204800x64xf32, #tpu.memory_space<hbm>> -> memref<50x64xf32, #tpu.memory_space<hbm>>
    %dma_wait3A_155 = arith.constant 0 : i32
    %dma_wait3A_156 = tpu.memref_slice %arg4[%mul3A_149, %dma_wait3A_155] : memref<204800x64xf32, #tpu.memory_space<hbm>> -> memref<50x64xf32, #tpu.memory_space<hbm>>
    %dma_wait3A_157 = arith.constant 0 : i32
    %dma_wait3A_158 = arith.constant 0 : i32
    %dma_wait3A_159 = tpu.memref_slice %arg8[%dma_wait3A_157, %dma_wait3A_158] : memref<50x128xf32, #tpu.memory_space<vmem>> -> memref<50x64xf32, #tpu.memory_space<vmem>>
    tpu.wait_dma2 semaphore(%arg16 : memref<!tpu.dma_semaphore, #tpu.memory_space<semaphore_mem>>) src(%dma_wait3A_159 : memref<50x64xf32, #tpu.memory_space<vmem>>) dst(%dma_wait3A_156 : memref<50x64xf32, #tpu.memory_space<hbm>>)
    %add3A_160 = arith.constant 127 : i32
    %add3A_161 = arith.addi %mul3A_2, %add3A_160 : i32
    %mul3A_162 = arith.constant 50 : i32
    %mul3A_163 = arith.muli %add3A_161, %mul3A_162 : i32
    %dma_wait3A_164 = arith.constant 0 : i32
    %dma_wait3A_165 = arith.constant 0 : i32
    %dma_wait3A_166 = tpu.memref_slice %arg9[%dma_wait3A_164, %dma_wait3A_165] : memref<50x128xf32, #tpu.memory_space<vmem>> -> memref<50x64xf32, #tpu.memory_space<vmem>>
    %dma_wait3A_167 = arith.constant 0 : i32
    %dma_wait3A_168 = tpu.memref_slice %arg4[%mul3A_163, %dma_wait3A_167] : memref<204800x64xf32, #tpu.memory_space<hbm>> -> memref<50x64xf32, #tpu.memory_space<hbm>>
    %dma_wait3A_169 = arith.constant 0 : i32
    %dma_wait3A_170 = tpu.memref_slice %arg4[%mul3A_163, %dma_wait3A_169] : memref<204800x64xf32, #tpu.memory_space<hbm>> -> memref<50x64xf32, #tpu.memory_space<hbm>>
    %dma_wait3A_171 = arith.constant 0 : i32
    %dma_wait3A_172 = arith.constant 0 : i32
    %dma_wait3A_173 = tpu.memref_slice %arg9[%dma_wait3A_171, %dma_wait3A_172] : memref<50x128xf32, #tpu.memory_space<vmem>> -> memref<50x64xf32, #tpu.memory_space<vmem>>
    tpu.wait_dma2 semaphore(%arg17 : memref<!tpu.dma_semaphore, #tpu.memory_space<semaphore_mem>>) src(%dma_wait3A_173 : memref<50x64xf32, #tpu.memory_space<vmem>>) dst(%dma_wait3A_170 : memref<50x64xf32, #tpu.memory_space<hbm>>)
    return
  }
}

</mosaic_0001>

<sc_bundles>
// kernel: kernel.3.cloned.1.call-start
scs
__scs_entry_jumppad:
0x0: {  	(pc) =	sbr.rel $0x88, $3  }
0x1: {  	(tag) =	ssettag $0x0;
	lr =	simm.s32 $0x1  }
0x2: {  	[smem:$0x3F9F] =	sst lr;
	_ =	strace $0xD0000000  }
0x3: {  	_ = 	snop  }
0x4: {  	_ = 	snop  }
0x5: {  	_ = 	snop  }
0x6: {  	_ = 	snop  }
0x7: {  	_ = 	snop  }
__scs_overlays_trampoline_lowered:
0x8: {  	[smem:$0x3FAE] =	sst s0  }
0x9: {  	[smem:$0x3FAF] =	sst s1  }
0xa: {  	[smem:$0x3FB0] =	sst s2  }
0xb: {  	[smem:$0x3FB1] =	sst s3  }
0xc: {  	[smem:$0x3FB2] =	sst s4  }
0xd: {  	[smem:$0x3FB3] =	sst s5  }
0xe: {  	[smem:$0x3FB4] =	sst s6  }
0xf: {  	[smem:$0x3FB5] =	sst s7  }
0x10: {  	[smem:$0x3FB6] =	sst s8  }
0x11: {  	[smem:$0x3FB7] =	sst s9;
	s0 =	simm.s32 @!p0 $0x0  }
0x12: {  	s1 =	sld [smem:$0x3F9D];
	s0 =	simm.s32 @p0 $0x1  }
0x13: {  	[smem:$0x3FB8] =	sst s0;
	s0 =	simm.s32 @!p1 $0x0  }
0x14: {  	s2 =	sld [smem:$0x3F9C];
	s0 =	simm.s32 @p1 $0x1  }
0x15: {  	[smem:$0x3FB9] =	sst s0;
	s0 =	simm.s32 @!p2 $0x0  }
0x16: {  	s3 =	sld [smem:$0x3FDB];
	s0 =	simm.s32 @p2 $0x1  }
0x17: {  	s4 =	simm.s32 $0x1BF5;
	[smem:$0x3FBB] =	sst s0  }
0x18: {  	s0 =	sld [smem:$0x3F9E];
	_ =	swait.ge [sflag:s4], $0x0  }
0x19: {  	s7 =	sld [smem:$0x3F9F]  }
0x1a: {  	s8 =	sadd.s32 $0xFFFFE003, lr  }
0x1b: {  	s9 =	sadd.s32 $0xFFFFFEF7, lr;
	s5 =	simm.s32 $0xFFFFFFFF;
	p2 =	slt.u32 s8, $0xFFFFF086  }
0x1c: {  	p1 =	slt.u32 s9, $0xF7A;
	s5 =	simm.s32 @!p2 $0x0  }
0x1d: {  	s5 =	simm.s32 @p1 $0x1;
	p0 =	seq.s32 s7, s2  }
0x1e: {  	s7 =	smul.u32 @!p0 $0xF7A, s2;
	p2 =	seq.s32 @!p0 s5, $0x0  }
0x1f: {  	s9 =	smul.u32 $0xF7A, s1;
	s8 =	simm.s32 @!p0 $0x1BF5;
	p2 =	por !p2, p0  }
0x20: {  	[sflag:s8] =	ssyncset.s32 @!p0 $0xFFFFF086;
	s6 =	sadd.s32 @!p0 s3, s7;
	s7 =	simm.s32 @!p0 $0x108  }
0x21: {  	s3 =	sadd.s32 s3, s9;
	s6 =	sadd.s32 @!p0 $0x88, s6;
	s7 =	simm.s32 @p2 $0x1082  }
0x22: {  	[simem:s7], [sflag:s8] =	dma.local @!p0 [hbm:s6], $0xF7A  }
0x23: {  	s9 =	sor.u32 $0xD0000000, s2;
	s6 =	simm.s32 $0x108;
	_ =	swait.ge @!p0 [sflag:s8], $0x0  }
0x24: {  	s3 =	sadd.s32 $0x88, s3;
	s6 =	simm.s32 @!p1 $0x1082;
	[sflag:s4] =	ssyncset.s32 $0xFFFFF086  }
0x25: {  	[simem:s6], [sflag:s4] =	dma.local [hbm:s3], $0xF7A  }
0x26: {  	[smem:$0x3F9F] =	sst s1;
	(tag) =	ssettag s2;
	_ =	strace s9  }
0x27: {  	s1 =	sld [smem:$0x3FAF]  }
0x28: {  	s2 =	sld [smem:$0x3FB0]  }
0x29: {  	s4 =	sld [smem:$0x3FB2]  }
0x2a: {  	p0 =	seq.s32 s5, $0x0;
	s5 =	sld [smem:$0x3FB3]  }
0x2b: {  	s6 =	sld [smem:$0x3FB4]  }
0x2c: {  	s7 =	sld [smem:$0x3FB5]  }
0x2d: {  	s3 =	simm.s32 $0x108;
	s8 =	sld [smem:$0x3FB6]  }
0x2e: {  	s3 =	simm.s32 @!p0 $0x1082;
	s9 =	sld [smem:$0x3FB7]  }
0x2f: {  	lr =	sadd.s32 s0, s3;
	s0 =	sld [smem:$0x3FAE]  }
0x30: {  	s3 =	sld [smem:$0x3FB1]  }
0x31: {  	[smem:$0x3FBA] =	sst s10  }
0x32: {  	s10 =	sld [smem:$0x3FB8];
	_ =	sdelay $0x3  }
0x33: {  	p0 =	seq.s32 s10, $0x1;
	s10 =	sld [smem:$0x3FBA];
	_ =	sdelay $0x3  }
0x34: {  	[smem:$0x3FBA] =	sst s10  }
0x35: {  	s10 =	sld [smem:$0x3FB9];
	_ =	sdelay $0x3  }
0x36: {  	p1 =	seq.s32 s10, $0x1;
	s10 =	sld [smem:$0x3FBA];
	_ =	sdelay $0x3  }
0x37: {  	[smem:$0x3FBA] =	sst s10  }
0x38: {  	s10 =	sld [smem:$0x3FBB]  }
0x39: {  	_ = 	snop;
	(pc) =	sbr.ind lr, $3  }
0x3a: {  	_ = 	snop  }
0x3b: {  	_ = 	snop  }
0x3c: {  	p2 =	seq.s32 s10, $0x1;
	s10 =	sld [smem:$0x3FBA]  }
0x3d: {  	_ =	shalt  }
0x3e: {  	_ =	shalt  }
0x3f: {  	_ =	shalt  }
0x40: {  	_ =	shalt  }
0x41: {  	_ =	shalt  }
0x42: {  	_ =	shalt  }
0x43: {  	_ =	shalt  }
0x44: {  	_ =	shalt  }
0x45: {  	_ =	shalt  }
0x46: {  	_ =	shalt  }
0x47: {  	_ =	shalt  }
0x48: {  	_ =	shalt  }
0x49: {  	_ =	shalt  }
0x4a: {  	_ =	shalt  }
0x4b: {  	_ =	shalt  }
0x4c: {  	_ =	shalt  }
0x4d: {  	_ =	shalt  }
0x4e: {  	_ =	shalt  }
0x4f: {  	_ =	shalt  }
0x50: {  	_ =	shalt  }
0x51: {  	_ =	shalt  }
0x52: {  	_ =	shalt  }
0x53: {  	_ =	shalt  }
0x54: {  	_ =	shalt  }
0x55: {  	_ =	shalt  }
0x56: {  	_ =	shalt  }
0x57: {  	_ =	shalt  }
0x58: {  	_ =	shalt  }
0x59: {  	_ =	shalt  }
0x5a: {  	_ =	shalt  }
0x5b: {  	_ =	shalt  }
0x5c: {  	_ =	shalt  }
0x5d: {  	_ =	shalt  }
0x5e: {  	_ =	shalt  }
0x5f: {  	_ =	shalt  }
0x60: {  	_ =	shalt  }
0x61: {  	_ =	shalt  }
0x62: {  	_ =	shalt  }
0x63: {  	_ =	shalt  }
0x64: {  	_ =	shalt  }
0x65: {  	_ =	shalt  }
0x66: {  	_ =	shalt  }
0x67: {  	_ =	shalt  }
0x68: {  	_ =	shalt  }
0x69: {  	_ =	shalt  }
0x6a: {  	_ =	shalt  }
0x6b: {  	_ =	shalt  }
0x6c: {  	_ =	shalt  }
0x6d: {  	_ =	shalt  }
0x6e: {  	_ =	shalt  }
0x6f: {  	_ =	shalt  }
0x70: {  	_ =	shalt  }
0x71: {  	_ =	shalt  }
0x72: {  	_ =	shalt  }
0x73: {  	_ =	shalt  }
0x74: {  	_ =	shalt  }
0x75: {  	_ =	shalt  }
0x76: {  	_ =	shalt  }
0x77: {  	_ =	shalt  }
0x78: {  	_ =	shalt  }
0x79: {  	_ =	shalt  }
0x7a: {  	_ =	shalt  }
0x7b: {  	_ =	shalt  }
0x7c: {  	_ =	shalt  }
0x7d: {  	_ =	shalt  }
0x7e: {  	_ =	shalt  }
0x7f: {  	_ =	shalt  }
0x80: {  	_ =	shalt  }
0x81: {  	_ =	shalt  }
0x82: {  	_ =	shalt  }
0x83: {  	_ =	shalt  }
0x84: {  	_ =	shalt  }
0x85: {  	_ =	shalt  }
0x86: {  	_ =	shalt  }
0x87: {  	_ =	shalt  }
.Lfunc_end0:
.L_simem_size_0:
called_computation.1_lowered:
.L_overlay_start_0:
0x88: {  	s2 =	sld [smem:$0x3FD9]  }
0x89: {  	s3 =	sld [smem:$0x3FFE];
	_ =	sdelay $0x1  }
0x8a: {  	s1 =	srdreg.scid  }
0x8b: {  	s0 =	sand.u32 $0x1, s1  }
0x8c: {  	s17 =	sshll.u32 s0, $0xA;
	s2 =	sadd.s32 s3, s2  }
0x8d: {  	s2 =	sadd.s32 s2, s17  }
0x8e: {  	[smem:$0x3FC6] =	sst s2  }
0x8f: {  	_ = 	snop  }
0x90: {  	s2 =	sld [smem:$0x3FD0];
	(tm) =	ssettm $0x1  }
0x91: {  	s18 =	sld [smem:$0x3FFB];
	_ =	sdelay $0x3  }
0x92: {  	_ =	strace s18  }
0x93: {  	s3 =	sld [smem:$0x3FFC];
	_ =	sdelay $0x3  }
0x94: {  	_ =	strace s3  }
0x95: {  	s3 =	sld [smem:$0x3FFD];
	_ =	sdelay $0x3  }
0x96: {  	_ =	strace s3  }
0x97: {  	_ =	strace $0x8FFFFFFF  }
0x98: {  	s19 =	sld [smem:$0x3FDB];
	_ =	sdelay $0x1  }
0x99: {  	s4 =	simm.s32 $_scs_section_size  }
0x9a: {  	s5 =	simm.s32 $_size__tile_overlayer_lowered;
	s6 =	simm.s32 $_tile_overlayer_lowered  }
0x9b: {  	s22 =	simm.s32 $0x1BFF;
	s21 =	sshll.u32 s6, $0x1;
	s3 =	sadd.s32 s4, s19  }
0x9c: {  	s7 =	simm.s32 $0x0;
	s20 =	sshll.u32 s5, $0x1;
	s5 =	sadd.s32 s21, s3  }
0x9d: {  	[timem:s7], [sflag:s22] =	dma.local [hbm:s5], s20  }
0x9e: {  	_ =	swait.ge [sflag:s22], s20  }
0x9f: {  	s4 =	ssub.s32 $0x0, s20;
	[sflag:s22] =	ssyncset.done $0x0  }
0xa0: {  	[sflag:s22] =	ssyncadd.s32 s4;
	_ =	sdelay $0x1  }
0xa1: {  	s23 =	simm.s32 $0x1B8B  }
0xa2: {  	_ =	swait.ge [sflag:s23], $0x1  }
0xa3: {  	[sflag:s23] =	ssyncset.done $0x0  }
0xa4: {  	s25 =	simm.s32 $0x1B8E;
	s24 =	sld [smem:$0x3FFE];
	[sflag:s23] =	ssyncadd.s32 $0xFFFFFFFF  }
0xa5: {  	s26 =	simm.s32 $execute0_lowered;
	[smem:$0x3FD2] =	sst s25  }
0xa6: {  	s5 =	sshll.u32 s26, $0x1;
	_ =	strace $0x80000046;
	[dreg:$0x1] =	wrdreg $0xFFFFFFFF  }
0xa7: {  	s28 =	simm.s32 $_size_execute0_lowered;
	s3 =	sadd.s32 s3, s5;
	[dreg:$0x0] =	wrdreg $0x0  }
0xa8: {  	s5 =	sshll.u32 s28, $0x1;
	[dreg:$0x2] =	wrdreg s3  }
0xa9: {  	[dreg:$0x3] =	wrdreg s5  }
0xaa: {  	[dreg:$0x4] =	wrdreg $0xC0  }
0xab: {  	_ =	task [dreg:s7], $0x5FFFF  }
0xac: {  	[dreg:$0x1] =	wrdreg $0xFFFFFFFF  }
0xad: {  	[dreg:$0x0] =	wrdreg $0x60  }
0xae: {  	[dreg:$0x2] =	wrdreg s24  }
0xaf: {  	[dreg:$0x3] =	wrdreg s2  }
0xb0: {  	[dreg:$0x4] =	wrdreg $0x9  }
0xb1: {  	_ =	task.clear_ibuf [dreg:s7], $0x5FFFF;
	_ =	strace $0x90000046  }
0xb2: {  	s29 =	simm.s32 $0x9;
	_ =	strace $0x80000048  }
0xb3: {  	_ =	swait.ge [sflag:s29], $0x1  }
0xb4: {  	[sflag:s29] =	ssyncadd.s32 $0xFFFFFFFF  }
0xb5: {  	_ =	strace $0x90000048  }
0xb6: {  	_ =	sfence  }
0xb7: {  	s30 =	sld [smem:$0x0];
	_ =	sdelay $0x2  }
0xb8: {  	s31 =	sshll.u32 s1, $0xD;
	s1 =	sshrl.u32 s1, $0x2  }
0xb9: {  	s3 =	sand.u32 $0x4000, s31;
	s1 =	sadd.s32 s1, s30  }
0xba: {  	s0 =	sor.u32 s3, s0;
	s1 =	sshll.u32 s1, $0x11  }
0xbb: {  	s0 =	sor.u32 s1, s0  }
0xbc: {  	s0 =	sadd.s32 $0x8F2B, s0  }
0xbd: {  	[sflag:s0] =	ssyncadd.remote.s32 $0x1  }
0xbe: {  	_ =	sfence.sel $0xFFFF  }
0xbf: {  	[dreg:$0x0] =	wrdreg $0xFFFFFFFF;
	(pc) =	sbr.abs _section_cstart, $3  }
0xc0: {  	[dreg:$0x1] =	wrdreg $0xFFFFFFFF  }
0xc1: {  	_ =	task.clear_ibuf [dreg:s7], $0x2FFFF;
	_ =	strace $0x9FFFFFFF  }
0xc2: {  	(tm) =	ssettm $0x7FFFFFFF  }
0xc3: {  	_ =	shalt  }
tec
execute0_lowered:
.L_overlay_start_1:
0x0: {  	(tag) =	ssettag $0x1  }
0x1: {  	s0 =	srdreg.scid  }
0x2: {  	s2 =	stileid.u32;
	s1 =	rddreg [dreg:$0x0];
	s12 =	simm.s32 $0x9  }
0x3: {  	s13 =	simm.s32 $0x32;
	s14 =	simm.s32 $0x1C00;
	s16 =	simm.s32 $0x3500  }
0x4: {  	s18 =	simm.s32 $0x4E00;
	s20 =	simm.s32 $0x6700;
	s21 =	simm.s32 $0x1  }
0x5: {  	s22 =	simm.s32 $0x5;
	s23 =	simm.s32 $0x2;
	s24 =	simm.s32 $0x6  }
0x6: {  	s25 =	simm.s32 $0x3;
	s28 =	simm.s32 $0x4;
	s0 =	sand.u32 $0x1, s0  }
0x7: {  	s29 =	simm.s32 $0x8;
	s3 =	sshll.u32 s2, $0x8;
	s4 =	sshll.u32 s0, $0x7  }
0x8: {  	s30 =	simm.s32 $0x0;
	s0 =	ssub.s32 $0x2, s0;
	s3 =	sor.u32 s4, s3  }
0x9: {  	s4 =	simm.s32 $0x0;
	s8 =	sshrl.u32 s0, $0x1;
	s5 =	smul.u32 $0x7, s3  }
0xa: {  	[smem:$0x7FF] =	sst s4;
	s6 =	smul.u32 $0xC80, s3;
	s0 =	ssub.s32 s0, s8  }
0xb: {  	s2 =	rddreg [dreg:$0x1];
	_ =	strace $0x80000047;
	s0 =	smax.u32 s0, $0x1  }
0xc: {  	s7 =	sadd.s32 s5, s1;
	s6 =	sshrl.u32 s6, $0x3;
	s5 =	sadd.s32 $0xF4A000, s1  }
0xd: {  	[dreg:$0x4] =	wrdreg s0;
	s26 =	sadd.s32 s2, s6;
	s31 =	sadd.s32 $0xF43000, s7  }
0xe: {  	[dreg:$0x3] =	wrdreg s31;
	s7 =	sadd.s32 $0xC1C0, s26;
	s8 =	sadd.s32 $0xC350, s26  }
0xf: {  	s9 =	sadd.s32 $0xC4E0, s26;
	s10 =	sadd.s32 $0xC670, s26;
	s26 =	simm.s32 $0x7  }
.LBB2_1:
0x10: {  	s0 =	rddreg [dreg:$0x3]  }
0x11: {  	[tilespmem:s4], [sflag:$0x9] =	stream.linear.gather [hbm4b:s0+s4], $0x1C00, $0x38;
	[tilespmem:$0x8000] =	vst v63  }
0x12: {  	_ =	swait.ge [sflag:s12], $0x1C00  }
0x13: {  	[sflag:s12] =	ssyncset.done $0x0  }
0x14: {  	[sflag:s12] =	ssyncadd.s32 $0xFFFFE400  }
0x15: {  	[tilespmem:s14], [sflag:$0x1] =	stream.indirect.gather [hbm4b:s5+s13], $0x80, s4, s13, $0xb8;
	[tilespmem:$0x8000] =	vst v63  }
0x16: {  	s15 =	simm.s32 $0x38  }
0x17: {  	[tilespmem:s16], [sflag:$0x2] =	stream.indirect.gather [hbm4b:s5+s13], $0x80, s15, s13, $0xb8;
	[tilespmem:$0x8000] =	vst v63  }
0x18: {  	s17 =	simm.s32 $0x70  }
0x19: {  	[tilespmem:s18], [sflag:$0x3] =	stream.indirect.gather [hbm4b:s5+s13], $0x80, s17, s13, $0xb8;
	[tilespmem:$0x8000] =	vst v63  }
0x1a: {  	s19 =	simm.s32 $0xA8;
	s31 =	simm.s32 $0x0  }
0x1b: {  	[tilespmem:s20], [sflag:$0x4] =	stream.indirect.gather [hbm4b:s5+s13], $0x80, s19, s13, $0xb8;
	[tilespmem:$0x8000] =	vst v63  }
.LBB2_2:
0x1c: {  	s0 =	sshll.u32 s31, $0x2  }
0x1d: {  	s1 =	sadd.s32 s3, s0  }
0x1e: {  	s1 =	smul.u32 $0x190, s1  }
0x1f: {  	_ =	swait.ge [sflag:s21], $0x1900;
	s15 =	simm.s32 $0x1C00  }
0x20: {  	s17 =	simm.s32 $0x8;
	[sflag:s21] =	ssyncset.done $0x0;
	s1 =	sadd.s32 s2, s1  }
0x21: {  	s19 =	simm.s32 $0x1C80;
	[sflag:s21] =	ssyncadd.s32 $0xFFFFE700;
	s6 =	sadd.s32 $0x0, s1  }
.LBB2_3:
0x22: {  	[hbm4b:s6+s4] =	stream.linear.scatter [tilespmem:s15], [sflag:$0x5], $0x40, $0x38;
	[tilespmem:$0x8000] =	vst v63  }
0x23: {  	s6 =	smov.u32 s17;
	s15 =	smov.u32 s19;
	p0 =	sne.s32 s17, $0x188  }
.Ltmp0:
0x24: {  	s17 =	sadd.s32 $0x8, s17;
	(pc) =	sbr.rel @p0 .LBB2_3-.Ltmp0, $2  }
0x25: {  	_ =	sdelay $0x2  }
0x26: {  	s19 =	sadd.s32 $0x80, s19;
	s6 =	sadd.s32 s6, s1  }
0x27: {  	[hbm4b:s6+s4] =	stream.linear.scatter [tilespmem:s15], [sflag:$0x5], $0x40, $0x38;
	[tilespmem:$0x8000] =	vst v63  }
0x28: {  	s1 =	smul.u32 $0x380, s31  }
0x29: {  	_ =	swait.ge [sflag:s22], $0xC80  }
0x2a: {  	s0 =	sadd.s32 s0, s3;
	[sflag:s22] =	ssyncset.done $0x0;
	s1 =	sshra.s32 s1, $0x2  }
0x2b: {  	s0 =	smul.u32 $0x190, s0;
	[sflag:s22] =	ssyncadd.s32 $0xFFFFF380;
	s19 =	sadd.s32 $0xE0, s1  }
0x2c: {  	[tilespmem:s14], [sflag:$0x1] =	stream.indirect.gather [hbm4b:s5+s13], $0x80, s19, s13, $0xb8;
	[tilespmem:$0x8000] =	vst v63  }
0x2d: {  	s17 =	simm.s32 $0x3500;
	s0 =	sadd.s32 s2, s0;
	_ =	swait.ge [sflag:s23], $0x1900  }
0x2e: {  	s6 =	simm.s32 $0x3580;
	s15 =	sadd.s32 $0x190, s0;
	[sflag:s23] =	ssyncset.done $0x0  }
0x2f: {  	s19 =	simm.s32 $0x8;
	s11 =	sadd.s32 $0x0, s15;
	[sflag:s23] =	ssyncadd.s32 $0xFFFFE700  }
.LBB2_5:
0x30: {  	[hbm4b:s11+s4] =	stream.linear.scatter [tilespmem:s17], [sflag:$0x6], $0x40, $0x38;
	[tilespmem:$0x8000] =	vst v63  }
0x31: {  	s11 =	smov.u32 s19;
	s17 =	smov.u32 s6;
	p0 =	sne.s32 s19, $0x188  }
.Ltmp1:
0x32: {  	s19 =	sadd.s32 $0x8, s19;
	(pc) =	sbr.rel @p0 .LBB2_5-.Ltmp1, $2  }
0x33: {  	_ =	sdelay $0x2  }
0x34: {  	s6 =	sadd.s32 $0x80, s6;
	s11 =	sadd.s32 s11, s15  }
0x35: {  	[hbm4b:s11+s4] =	stream.linear.scatter [tilespmem:s17], [sflag:$0x6], $0x40, $0x38;
	[tilespmem:$0x8000] =	vst v63  }
0x36: {  	_ =	swait.ge [sflag:s24], $0xC80  }
0x37: {  	[sflag:s24] =	ssyncset.done $0x0  }
0x38: {  	s6 =	sadd.s32 $0x118, s1;
	[sflag:s24] =	ssyncadd.s32 $0xFFFFF380  }
0x39: {  	[tilespmem:s16], [sflag:$0x2] =	stream.indirect.gather [hbm4b:s5+s13], $0x80, s6, s13, $0xb8;
	[tilespmem:$0x8000] =	vst v63  }
0x3a: {  	s15 =	sadd.s32 $0x320, s0;
	_ =	swait.ge [sflag:s25], $0x1900  }
0x3b: {  	s17 =	simm.s32 $0x4E00;
	s19 =	simm.s32 $0x8;
	[sflag:s25] =	ssyncset.done $0x0  }
0x3c: {  	s11 =	sadd.s32 $0x0, s15;
	s6 =	simm.s32 $0x4E80;
	[sflag:s25] =	ssyncadd.s32 $0xFFFFE700  }
.LBB2_7:
0x3d: {  	[hbm4b:s11+s4] =	stream.linear.scatter [tilespmem:s17], [sflag:$0x7], $0x40, $0x38;
	[tilespmem:$0x8000] =	vst v63  }
0x3e: {  	s11 =	smov.u32 s19;
	s17 =	smov.u32 s6;
	p0 =	sne.s32 s19, $0x188  }
.Ltmp2:
0x3f: {  	s19 =	sadd.s32 $0x8, s19;
	(pc) =	sbr.rel @p0 .LBB2_7-.Ltmp2, $2  }
0x40: {  	_ =	sdelay $0x2  }
0x41: {  	s6 =	sadd.s32 $0x80, s6;
	s11 =	sadd.s32 s11, s15  }
0x42: {  	[hbm4b:s11+s4] =	stream.linear.scatter [tilespmem:s17], [sflag:$0x7], $0x40, $0x38;
	[tilespmem:$0x8000] =	vst v63  }
0x43: {  	_ =	swait.ge [sflag:s26], $0xC80  }
0x44: {  	[sflag:s26] =	ssyncset.done $0x0  }
0x45: {  	s6 =	sadd.s32 $0x150, s1;
	[sflag:s26] =	ssyncadd.s32 $0xFFFFF380  }
0x46: {  	[tilespmem:s18], [sflag:$0x3] =	stream.indirect.gather [hbm4b:s5+s13], $0x80, s6, s13, $0xb8;
	[tilespmem:$0x8000] =	vst v63  }
0x47: {  	s0 =	sadd.s32 $0x4B0, s0;
	_ =	swait.ge [sflag:s28], $0x1900  }
0x48: {  	s15 =	simm.s32 $0x6700;
	s17 =	simm.s32 $0x8;
	[sflag:s28] =	ssyncset.done $0x0  }
0x49: {  	s11 =	sadd.s32 $0x0, s0;
	s6 =	simm.s32 $0x6780;
	[sflag:s28] =	ssyncadd.s32 $0xFFFFE700  }
.LBB2_9:
0x4a: {  	[hbm4b:s11+s4] =	stream.linear.scatter [tilespmem:s15], [sflag:$0x8], $0x40, $0x38;
	[tilespmem:$0x8000] =	vst v63  }
0x4b: {  	s11 =	smov.u32 s17;
	s15 =	smov.u32 s6;
	p0 =	sne.s32 s17, $0x188  }
.Ltmp3:
0x4c: {  	s17 =	sadd.s32 $0x8, s17;
	(pc) =	sbr.rel @p0 .LBB2_9-.Ltmp3, $2  }
0x4d: {  	_ =	sdelay $0x2  }
0x4e: {  	s6 =	sadd.s32 $0x80, s6;
	s11 =	sadd.s32 s11, s0  }
0x4f: {  	[hbm4b:s11+s4] =	stream.linear.scatter [tilespmem:s15], [sflag:$0x8], $0x40, $0x38;
	[tilespmem:$0x8000] =	vst v63  }
0x50: {  	s31 =	sadd.s32 $0x1, s31  }
0x51: {  	p0 =	sne.s32 s31, $0x1F  }
.Ltmp4:
0x52: {  	_ = 	snop;
	(pc) =	sbr.rel @p0 .LBB2_2-.Ltmp4, $4  }
0x53: {  	_ =	swait.ge [sflag:s29], $0xC80  }
0x54: {  	[sflag:s29] =	ssyncset.done $0x0  }
0x55: {  	s0 =	sadd.s32 $0x188, s1;
	[sflag:s29] =	ssyncadd.s32 $0xFFFFF380  }
0x56: {  	[tilespmem:s20], [sflag:$0x4] =	stream.indirect.gather [hbm4b:s5+s13], $0x80, s0, s13, $0xb8;
	[tilespmem:$0x8000] =	vst v63  }
0x57: {  	_ =	swait.ge [sflag:s21], $0x1900  }
0x58: {  	s0 =	simm.s32 $0x1C00;
	s1 =	simm.s32 $0x8;
	[sflag:s21] =	ssyncset.done $0x0  }
0x59: {  	s11 =	sadd.s32 $0x0, s7;
	s6 =	simm.s32 $0x1C80;
	[sflag:s21] =	ssyncadd.s32 $0xFFFFE700  }
.LBB2_12:
0x5a: {  	[hbm4b:s11+s4] =	stream.linear.scatter [tilespmem:s0], [sflag:$0x5], $0x40, $0x38;
	[tilespmem:$0x8000] =	vst v63  }
0x5b: {  	s11 =	smov.u32 s1;
	s0 =	smov.u32 s6;
	p0 =	sne.s32 s1, $0x188  }
.Ltmp5:
0x5c: {  	s1 =	sadd.s32 $0x8, s1;
	(pc) =	sbr.rel @p0 .LBB2_12-.Ltmp5, $2  }
0x5d: {  	_ =	sdelay $0x2  }
0x5e: {  	s6 =	sadd.s32 $0x80, s6;
	s11 =	sadd.s32 s11, s7  }
0x5f: {  	[hbm4b:s11+s4] =	stream.linear.scatter [tilespmem:s0], [sflag:$0x5], $0x40, $0x38;
	[tilespmem:$0x8000] =	vst v63  }
0x60: {  	_ =	swait.ge [sflag:s23], $0x1900  }
0x61: {  	s0 =	simm.s32 $0x3500;
	s1 =	simm.s32 $0x8;
	[sflag:s23] =	ssyncset.done $0x0  }
0x62: {  	s11 =	sadd.s32 $0x0, s8;
	s6 =	simm.s32 $0x3580;
	[sflag:s23] =	ssyncadd.s32 $0xFFFFE700  }
.LBB2_14:
0x63: {  	[hbm4b:s11+s4] =	stream.linear.scatter [tilespmem:s0], [sflag:$0x6], $0x40, $0x38;
	[tilespmem:$0x8000] =	vst v63  }
0x64: {  	s11 =	smov.u32 s1;
	s0 =	smov.u32 s6;
	p0 =	sne.s32 s1, $0x188  }
.Ltmp6:
0x65: {  	s1 =	sadd.s32 $0x8, s1;
	(pc) =	sbr.rel @p0 .LBB2_14-.Ltmp6, $2  }
0x66: {  	_ =	sdelay $0x2  }
0x67: {  	s6 =	sadd.s32 $0x80, s6;
	s11 =	sadd.s32 s11, s8  }
0x68: {  	[hbm4b:s11+s4] =	stream.linear.scatter [tilespmem:s0], [sflag:$0x6], $0x40, $0x38;
	[tilespmem:$0x8000] =	vst v63  }
0x69: {  	_ =	swait.ge [sflag:s25], $0x1900  }
0x6a: {  	s0 =	simm.s32 $0x4E00;
	s1 =	simm.s32 $0x8;
	[sflag:s25] =	ssyncset.done $0x0  }
0x6b: {  	s11 =	sadd.s32 $0x0, s9;
	s6 =	simm.s32 $0x4E80;
	[sflag:s25] =	ssyncadd.s32 $0xFFFFE700  }
.LBB2_16:
0x6c: {  	[hbm4b:s11+s4] =	stream.linear.scatter [tilespmem:s0], [sflag:$0x7], $0x40, $0x38;
	[tilespmem:$0x8000] =	vst v63  }
0x6d: {  	s11 =	smov.u32 s1;
	s0 =	smov.u32 s6;
	p0 =	sne.s32 s1, $0x188  }
.Ltmp7:
0x6e: {  	s1 =	sadd.s32 $0x8, s1;
	(pc) =	sbr.rel @p0 .LBB2_16-.Ltmp7, $2  }
0x6f: {  	_ =	sdelay $0x2  }
0x70: {  	s6 =	sadd.s32 $0x80, s6;
	s11 =	sadd.s32 s11, s9  }
0x71: {  	[hbm4b:s11+s4] =	stream.linear.scatter [tilespmem:s0], [sflag:$0x7], $0x40, $0x38;
	[tilespmem:$0x8000] =	vst v63  }
0x72: {  	_ =	swait.ge [sflag:s28], $0x1900  }
0x73: {  	s0 =	simm.s32 $0x6700;
	s1 =	simm.s32 $0x8;
	[sflag:s28] =	ssyncset.done $0x0  }
0x74: {  	s11 =	sadd.s32 $0x0, s10;
	s6 =	simm.s32 $0x6780;
	[sflag:s28] =	ssyncadd.s32 $0xFFFFE700  }
.LBB2_18:
0x75: {  	[hbm4b:s11+s4] =	stream.linear.scatter [tilespmem:s0], [sflag:$0x8], $0x40, $0x38;
	[tilespmem:$0x8000] =	vst v63  }
0x76: {  	s11 =	smov.u32 s1;
	s0 =	smov.u32 s6;
	p0 =	sne.s32 s1, $0x188  }
.Ltmp8:
0x77: {  	s1 =	sadd.s32 $0x8, s1;
	(pc) =	sbr.rel @p0 .LBB2_18-.Ltmp8, $2  }
0x78: {  	_ =	sdelay $0x2  }
0x79: {  	s6 =	sadd.s32 $0x80, s6;
	s11 =	sadd.s32 s11, s10  }
0x7a: {  	[hbm4b:s11+s4] =	stream.linear.scatter [tilespmem:s0], [sflag:$0x8], $0x40, $0x38;
	[tilespmem:$0x8000] =	vst v63  }
0x7b: {  	_ =	swait.ge [sflag:s22], $0xC80  }
0x7c: {  	[sflag:s22] =	ssyncset.done $0x0  }
0x7d: {  	[sflag:s22] =	ssyncadd.s32 $0xFFFFF380  }
0x7e: {  	_ =	swait.ge [sflag:s24], $0xC80  }
0x7f: {  	[sflag:s24] =	ssyncset.done $0x0  }
0x80: {  	[sflag:s24] =	ssyncadd.s32 $0xFFFFF380  }
0x81: {  	_ =	swait.ge [sflag:s26], $0xC80  }
0x82: {  	[sflag:s26] =	ssyncset.done $0x0  }
0x83: {  	[sflag:s26] =	ssyncadd.s32 $0xFFFFF380  }
0x84: {  	_ =	swait.ge [sflag:s29], $0xC80  }
0x85: {  	s30 =	sadd.s32 $0x1, s30;
	s31 =	rddreg [dreg:$0x4]  }
0x86: {  	p0 =	sne.s32 s30, s31  }
.Ltmp9:
0x87: {  	_ = 	snop;
	(pc) =	sbr.rel @p0 .LBB2_1-.Ltmp9, $3  }
0x88: {  	_ =	sdelay $0x1  }
0x89: {  	[sflag:s29] =	ssyncset.done $0x0  }
0x8a: {  	[sflag:s29] =	ssyncadd.s32 $0xFFFFF380  }
0x8b: {  	_ =	sfence.sel $0x180000  }
0x8c: {  	[bflag:$0x0] =	sbarrier.arrive $0xFFFF  }
0x8d: {  	_ =	strace $0x90000047  }
0x8e: {  	s0 =	stileid.u32;
	[bflag:$0x2] =	sbarrier.arrive $0xFFFF  }
0x8f: {  	p0 =	sne.s32 s0, $0x0;
	s0 =	rddreg [dreg:$0x2]  }
0x90: {  	s0 =	sadd.s32 @!p0 $0x100000, s0  }
0x91: {  	[sflag:s0] =	ssyncadd.tile.s32 @!p0 $0x1;
	_ =	shalt  }
.Lfunc_end2:
_tile_overlayer_lowered:
.L_overlay_start_2:
0x92: {  	(tag) =	ssettag $0x2  }
0x93: {  	s0 =	rddreg [dreg:$0x0];
	s2 =	stileid.u32  }
0x94: {  	s1 =	rddreg [dreg:$0x1];
	p0 =	sne.s32 s2, $0x0  }
0x95: {  	s3 =	rddreg [dreg:$0x2];
	[bflag:$0x3] =	sbarrier.arrive $0xFFFF;
	s2 =	simm.s32 @!p0 $0x1C09  }
0x96: {  	[timem:s3], [sflag:s2] =	dma.local @!p0 [hbm:s0], s1  }
0x97: {  	s0 =	simm.s32 @!p0 $0x9  }
0x98: {  	_ =	swait.ge @!p0 [sflag:s0], s1  }
0x99: {  	s1 =	ssub.s32 @!p0 $0x0, s1;
	[sflag:s0] =	ssyncset.done @!p0 $0x0  }
0x9a: {  	[sflag:s0] =	ssyncadd.s32 @!p0 s1  }
0x9b: {  	[bflag:$0x3] =	sbarrier.arrive $0xFFFF  }
0x9c: {  	_ =	shalt  }

// kernel: sparse-core-data-format-call.cloned.1.call-start
scs
called_computation_lowered:
.L_overlay_start_0:
0x0: {  	s2 =	sld [smem:$0x3FD9]  }
0x1: {  	s3 =	sld [smem:$0x3FFE];
	_ =	sdelay $0x1  }
0x2: {  	s1 =	srdreg.scid  }
0x3: {  	s0 =	sand.u32 $0x1, s1  }
0x4: {  	s18 =	sshll.u32 s0, $0xA;
	s2 =	sadd.s32 s3, s2  }
0x5: {  	s2 =	sadd.s32 s2, s18  }
0x6: {  	[smem:$0x3FC6] =	sst s2  }
0x7: {  	_ = 	snop  }
0x8: {  	s2 =	sld [smem:$0x3FD0];
	(tm) =	ssettm $0x1  }
0x9: {  	s19 =	sld [smem:$0x3FFB];
	_ =	sdelay $0x3  }
0xa: {  	_ =	strace s19  }
0xb: {  	s3 =	sld [smem:$0x3FFC];
	_ =	sdelay $0x3  }
0xc: {  	_ =	strace s3  }
0xd: {  	s3 =	sld [smem:$0x3FFD];
	_ =	sdelay $0x3  }
0xe: {  	_ =	strace s3  }
0xf: {  	_ =	strace $0x8FFFFFFF  }
0x10: {  	s20 =	sld [smem:$0x3FDB];
	_ =	sdelay $0x1  }
0x11: {  	s4 =	simm.s32 $_scs_section_size  }
0x12: {  	s5 =	simm.s32 $_size__tile_overlayer_lowered;
	s6 =	simm.s32 $_tile_overlayer_lowered  }
0x13: {  	s23 =	simm.s32 $0x1BFF;
	s22 =	sshll.u32 s6, $0x1;
	s3 =	sadd.s32 s4, s20  }
0x14: {  	s7 =	simm.s32 $0x0;
	s21 =	sshll.u32 s5, $0x1;
	s5 =	sadd.s32 s22, s3  }
0x15: {  	[timem:s7], [sflag:s23] =	dma.local [hbm:s5], s21  }
0x16: {  	_ =	swait.ge [sflag:s23], s21  }
0x17: {  	s4 =	ssub.s32 $0x0, s21;
	[sflag:s23] =	ssyncset.done $0x0  }
0x18: {  	[sflag:s23] =	ssyncadd.s32 s4;
	_ =	sdelay $0x1  }
0x19: {  	s24 =	simm.s32 $0x1B8B  }
0x1a: {  	_ =	swait.ge [sflag:s24], $0x1  }
0x1b: {  	[sflag:s24] =	ssyncset.done $0x0  }
0x1c: {  	s26 =	simm.s32 $0x1B8E;
	s25 =	sld [smem:$0x3FFE];
	[sflag:s24] =	ssyncadd.s32 $0xFFFFFFFF  }
0x1d: {  	s27 =	simm.s32 $execute0_lowered;
	[smem:$0x3FD2] =	sst s26  }
0x1e: {  	s5 =	sshll.u32 s27, $0x1;
	_ =	strace $0x80000049;
	[dreg:$0x1] =	wrdreg $0xFFFFFFFF  }
0x1f: {  	s28 =	simm.s32 $_size_execute0_lowered;
	s3 =	sadd.s32 s3, s5;
	[dreg:$0x0] =	wrdreg $0x0  }
0x20: {  	s5 =	sshll.u32 s28, $0x1;
	[dreg:$0x2] =	wrdreg s3  }
0x21: {  	[dreg:$0x3] =	wrdreg s5  }
0x22: {  	[dreg:$0x4] =	wrdreg $0xC0  }
0x23: {  	_ =	task [dreg:s7], $0x5FFFF  }
0x24: {  	[dreg:$0x1] =	wrdreg $0xFFFFFFFF  }
0x25: {  	[dreg:$0x0] =	wrdreg $0x60  }
0x26: {  	[dreg:$0x2] =	wrdreg s25  }
0x27: {  	[dreg:$0x3] =	wrdreg s2  }
0x28: {  	[dreg:$0x4] =	wrdreg $0x9  }
0x29: {  	_ =	task.clear_ibuf [dreg:s7], $0x5FFFF;
	_ =	strace $0x90000049  }
0x2a: {  	s29 =	simm.s32 $0x9;
	_ =	strace $0x8000004B  }
0x2b: {  	_ =	swait.ge [sflag:s29], $0x1  }
0x2c: {  	[sflag:s29] =	ssyncadd.s32 $0xFFFFFFFF  }
0x2d: {  	_ =	strace $0x9000004B  }
0x2e: {  	_ =	sfence  }
0x2f: {  	s30 =	sld [smem:$0x0];
	_ =	sdelay $0x2  }
0x30: {  	s31 =	sshll.u32 s1, $0xD;
	s1 =	sshrl.u32 s1, $0x2  }
0x31: {  	s3 =	sand.u32 $0x4000, s31;
	s1 =	sadd.s32 s1, s30  }
0x32: {  	s0 =	sor.u32 s3, s0;
	s1 =	sshll.u32 s1, $0x11  }
0x33: {  	s0 =	sor.u32 s1, s0  }
0x34: {  	s0 =	sadd.s32 $0x8F2B, s0  }
0x35: {  	[sflag:s0] =	ssyncadd.remote.s32 $0x1  }
0x36: {  	_ =	sfence.sel $0xFFFF  }
0x37: {  	[dreg:$0x0] =	wrdreg $0xFFFFFFFF;
	(pc) =	sbr.abs _section_cstart, $3  }
0x38: {  	[dreg:$0x1] =	wrdreg $0xFFFFFFFF  }
0x39: {  	_ =	task.clear_ibuf [dreg:s7], $0x2FFFF;
	_ =	strace $0x9FFFFFFF  }
0x3a: {  	(tm) =	ssettm $0x7FFFFFFF  }
0x3b: {  	_ =	shalt  }
tec
execute0_lowered:
.L_overlay_start_1:
0x0: {  	(tag) =	ssettag $0x1  }
0x1: {  	s0 =	srdreg.scid  }
0x2: {  	s1 =	sshll.u32 s0, $0x4  }
0x3: {  	s0 =	stileid.u32;
	s1 =	sand.u32 $0x10, s1  }
0x4: {  	s1 =	sor.u32 s0, s1  }
0x5: {  	s6 =	rddreg [dreg:$0x0];
	s4 =	simm.s32 $0x1;
	s2 =	sshll.u32 s1, $0x7  }
0x6: {  	s7 =	simm.s32 $0x2;
	s12 =	simm.s32 $0x0;
	s1 =	ssub.s32 $0x1000, s2  }
0x7: {  	s8 =	simm.s32 $0x8000;
	s13 =	simm.s32 $0x0;
	s3 =	sand.u32 $0xF80, s1  }
0x8: {  	s9 =	simm.s32 $0x0;
	s5 =	sshrl.u32 s1, $0xC;
	p0 =	sne.s32 s3, $0x0  }
.Ltmp0:
0x9: {  	s1 =	rddreg [dreg:$0x2];
	s4 =	simm.s32 @!p0 $0x0;
	(pc) =	sbr.rel .LBB1_1-.Ltmp0, $4  }
0xa: {  	s11 =	simm.s32 $0x0;
	s3 =	rddreg [dreg:$0x1];
	s5 =	sadd.s32 s4, s5  }
0xb: {  	_ =	strace $0x8000004A;
	s4 =	simm.s32 $0x1;
	s5 =	smul.u32 $0x32, s5  }
0xc: {  	s6 =	sadd.s32 $0xA00, s6;
	s10 =	smov.u32 s2;
	[sflag:s4] =	ssyncpa.u1 $0x0  }
0xd: {  	p0 =	por $0x0, $0x0;
	[sflag:s7] =	ssyncpa.u1 $0x0;
	s7 =	sor.u32 $0x1, s5  }
.LBB1_4:
0xe: {  	s16 =	sshll.u32 s13, $0x3;
	s17 =	sand.u32 $0x78, s13  }
0xf: {  	s30 =	sand.u32 $0x7E00, s13;
	s12 =	sshll.u32 s12, $0xF;
	s16 =	sand.u32 $0xC00, s16  }
0x10: {  	[tilespmem:s15+$0x810 ss:$0x81] =	vst.msk $0xffff, v2;
	s31 =	sand.u32 $0x7, s13;
	s16 =	sor.u32 s17, s16;
	s17 =	sadd.s32 s3, s30  }
0x11: {  	[tilespmem:s15+$0x1020 ss:$0x81] =	vst.msk $0xffff, v0;
	s13 =	sshll.u32 s31, $0x12;
	s12 =	sadd.s32 s12, s17;
	s16 =	sshrl.u32 s16, $0x3  }
0x12: {  	[tilespmem:s15+$0x0 ss:$0x81] =	vst.msk $0xffff, v1;
	s13 =	sor.u32 $0x400, s13;
	s12 =	sadd.s32 s16, s12  }
0x13: {  	[hbm4b:s12+s13] =	stream.strided.scatter [tilespmem:s14], [sflag:$0x2], $0x2000, s8, s13, $0x20;
	[tilespmem:$0x8080] =	vst v63  }
.LBB1_5:
0x14: {  	s14 =	sadd.s32 $0x1, s9  }
0x15: {  	s12 =	sadd.s32 $0x1000, s10;
	s16 =	smov.u32 s10;
	p2 =	sgt.s32 s14, $0x31  }
0x16: {  	s16 =	smov.u32 @p2 s12  }
0x17: {  	s14 =	simm.s32 @p2 $0x0;
	p2 =	sgt.s32 s16, $0xFFF  }
0x18: {  	s16 =	smov.u32 @p2 s2;
	p2 =	sne.s32 s11, s7  }
.Ltmp1:
0x19: {  	p1 =	slt.u32 s11, $0x2;
	(pc) =	sbr.rel @!p2 .LBB1_6-.Ltmp1, $4  }
0x1a: {  	s15 =	simm.s32 @!p1 $0x2  }
0x1b: {  	s13 =	smov.u32 s10;
	p0 =	por !p0, !p0;
	_ =	swait.ge @!p1 [sflag:s15], $0x2000  }
0x1c: {  	s12 =	smov.u32 s9;
	[sflag:s15] =	ssyncset.done @!p1 $0x0;
	s9 =	smov.u32 s14  }
0x1d: {  	s11 =	sadd.s32 $0x1, s11;
	[sflag:s15] =	ssyncadd.s32 @!p1 $0xFFFFE000;
	s10 =	smov.u32 s16  }
.LBB1_1:
0x1e: {  	p1 =	sge.u32 s11, s5  }
0x1f: {  	s14 =	sand.u32 @!p1 $0x1FFFFFF, s9  }
0x20: {  	s15 =	smulhi.u32 @!p1 $0x4924925, s14;
	_ =	sdelay $0x1  }
0x21: {  	s15 =	smul.u32 @!p1 $0x38, s15  }
0x22: {  	s16 =	sxor.u32 @!p1 $0xFFFFFFFF, s11;
	s17 =	smul.u32 @!p1 $0x380, s10  }
0x23: {  	s31 =	sadd.s32 $0xFFFFFFFF, s11;
	s16 =	sshll.u32 @!p1 s16, $0xD;
	s14 =	ssub.s32 @!p1 s14, s15  }
0x24: {  	s15 =	sand.u32 @!p1 $0x2000, s16;
	s16 =	sadd.s32 @!p1 s6, s17;
	s14 =	sshll.u32 @!p1 s14, $0x4  }
0x25: {  	s17 =	simm.s32 @!p1 $0x1C00;
	s14 =	sadd.s32 @!p1 s14, s16;
	s16 =	simm.s32 @!p1 $0x40  }
0x26: {  	[tilespmem:s15], [sflag:$0x1] =	stream.strided.gather @!p1 [hbm4b:s14+s16], $0x2000, s17, s16, $0x38;
	[tilespmem:$0x8080] =	vst v63  }
0x27: {  	p1 =	sge.u32 s31, s5  }
.Ltmp2:
0x28: {  	_ = 	snop;
	(pc) =	sbr.rel @p1 .LBB1_5-.Ltmp2, $1  }
0x29: {  	_ =	sdelay $0x3  }
0x2a: {  	s14 =	simm.s32 $0x1  }
0x2b: {  	_ =	swait.ge [sflag:s4], $0x2000;
	s14 =	simm.s32 @!p0 $0x0  }
0x2c: {  	[sflag:s4] =	ssyncset.done $0x0;
	s15 =	sshll.u32 s14, $0xD  }
0x2d: {  	[sflag:s4] =	ssyncadd.s32 $0xFFFFE000;
	s18 =	sor.u32 $0x20, s15  }
0x2e: {  	s14 =	smul.u32 $0x8100, s14;
	v3 =	vld [tilespmem:s18+$0x10]  }
0x2f: {  	s30 =	sand.u32 $0x1, s11;
	v2 =	vld [tilespmem:s18+$0xFFFFFFF0]  }
0x30: {  	s15 =	smul.u32 $0x8100, s30;
	s14 =	sshrl.u32 s14, $0x2;
	v0 =	vld [tilespmem:s18+$0x0]  }
0x31: {  	v1 =	vld [tilespmem:s18+$0xFFFFFFE0];
	s16 =	sor.u32 $0x4000, s14  }
0x32: {  	s31 =	sshrl.u32 s15, $0x2;
	s15 =	sadd.s32 $0x0, s16  }
0x33: {  	s17 =	simm.s32 $0x4;
	s18 =	sadd.s32 $0x40, s18;
	s14 =	sor.u32 $0x4000, s31;
	[tilespmem:s15+$0x1830 ss:$0x81] =	vst.msk $0xffff, v3  }
.LBB1_3:
0x34: {  	v3 =	vld [tilespmem:s18+$0x10];
	p1 =	sne.s32 s17, $0x1FC;
	[tilespmem:s15+$0x810 ss:$0x81] =	vst.msk $0xffff, v2;
	s19 =	smov.u32 s17;
	s17 =	sadd.s32 $0x4, s17  }
.Ltmp3:
0x35: {  	v2 =	vld [tilespmem:s18+$0xFFFFFFF0];
	[tilespmem:s15+$0x1020 ss:$0x81] =	vst.msk $0xffff, v0;
	(pc) =	sbr.rel @p1 .LBB1_3-.Ltmp3, $4  }
0x36: {  	v0 =	vld [tilespmem:s18+$0x0];
	[tilespmem:s15+$0x0 ss:$0x81] =	vst.msk $0xffff, v1  }
0x37: {  	s15 =	sshra.s32 s19, $0x2;
	v1 =	vld [tilespmem:s18+$0xFFFFFFE0]  }
0x38: {  	s15 =	sadd.s32 s15, s16  }
0x39: {  	s18 =	sadd.s32 $0x40, s18;
	[tilespmem:s15+$0x1830 ss:$0x81] =	vst.msk $0xffff, v3  }
.Ltmp4:
0x3a: {  	_ = 	snop;
	(pc) =	sbr.rel .LBB1_4-.Ltmp4, $1  }
0x3b: {  	_ =	sdelay $0x3  }
.LBB1_6:
0x3c: {  	_ =	sfence.sel $0x180000  }
0x3d: {  	s2 =	simm.s32 $0x1;
	[bflag:$0x0] =	sbarrier.arrive $0xFFFF  }
0x3e: {  	s31 =	simm.s32 $0x2;
	[sflag:s2] =	ssyncpa.u1 $0x1  }
0x3f: {  	[sflag:s31] =	ssyncpa.u1 $0x1  }
0x40: {  	p0 =	sne.s32 s0, $0x0;
	_ =	strace $0x9000004A  }
0x41: {  	s0 =	sadd.s32 @!p0 $0x100000, s1;
	[bflag:$0x2] =	sbarrier.arrive $0xFFFF  }
0x42: {  	[sflag:s0] =	ssyncadd.tile.s32 @!p0 $0x1;
	_ =	shalt  }
.Lfunc_end1:
_tile_overlayer_lowered:
.L_overlay_start_2:
0x43: {  	(tag) =	ssettag $0x2  }
0x44: {  	s0 =	rddreg [dreg:$0x0];
	s2 =	stileid.u32  }
0x45: {  	s1 =	rddreg [dreg:$0x1];
	p0 =	sne.s32 s2, $0x0  }
0x46: {  	s3 =	rddreg [dreg:$0x2];
	[bflag:$0x3] =	sbarrier.arrive $0xFFFF;
	s2 =	simm.s32 @!p0 $0x1C01  }
0x47: {  	[timem:s3], [sflag:s2] =	dma.local @!p0 [hbm:s0], s1  }
0x48: {  	s0 =	simm.s32 @!p0 $0x1  }
0x49: {  	_ =	swait.ge @!p0 [sflag:s0], s1  }
0x4a: {  	s1 =	ssub.s32 @!p0 $0x0, s1;
	[sflag:s0] =	ssyncset.done @!p0 $0x0  }
0x4b: {  	[sflag:s0] =	ssyncadd.s32 @!p0 s1  }
0x4c: {  	[bflag:$0x3] =	sbarrier.arrive $0xFFFF  }
0x4d: {  	_ =	shalt  }

</sc_bundles>
